<compile_context>
chip_gen: v7x
topology: tpu7x:2x2x1
jax: 0.10.2.dev20260603
libtpu: 0.0.44.dev20260713+nightly
codegen_flags: <defaults>
</compile_context>

<pallas_src>
import functools

import jax
import jax.numpy as jnp
from jax import lax
from jax.experimental import pallas as pl
from jax.experimental.pallas import tpu as pltpu
from jax.experimental.pallas import tpu_sc as plsc

_B = 4096
_D = 32
_NC = 2
_NS = 16
_NW = _NC * _NS
_BPW = _B // _NW
_L = 16

_BLK = 1024


@functools.lru_cache(maxsize=1)
def _make_sc_gather():
  mesh = plsc.VectorSubcoreMesh(core_axis_name="c", subcore_axis_name="s")

  @functools.partial(
      pl.kernel,
      mesh=mesh,
      out_type=(
          jax.ShapeDtypeStruct((_B, _D), jnp.float32),
          jax.ShapeDtypeStruct((_B, _D), jnp.float32),
      ),
      scratch_types=[
          pltpu.VMEM((_BPW,), jnp.int32),
          pltpu.VMEM((_BPW,), jnp.int32),
          pltpu.VMEM((_BPW, _D), jnp.float32),
          pltpu.VMEM((_BPW, _D), jnp.float32),
          pltpu.SemaphoreType.DMA,
      ],
  )
  def gather2(uid_hbm, iid_hbm, ut_hbm, it_hbm, u_out, p_out,
              uidx_v, iidx_v, urows_v, prows_v, sem):
    wid = lax.axis_index("s") * _NC + lax.axis_index("c")
    base = wid * _BPW
    cp_u = pltpu.make_async_copy(uid_hbm.at[pl.ds(base, _BPW)], uidx_v, sem)
    cp_i = pltpu.make_async_copy(iid_hbm.at[pl.ds(base, _BPW)], iidx_v, sem)
    cp_u.start()
    cp_i.start()
    cp_u.wait()
    cp_i.wait()

    def fire(c, _):
      uchunk = uidx_v[pl.ds(c * _L, _L)]
      ichunk = iidx_v[pl.ds(c * _L, _L)]
      for k in range(_L):
        ur = lax.squeeze(lax.slice(uchunk, (k,), (k + 1,)), (0,))
        ir = lax.squeeze(lax.slice(ichunk, (k,), (k + 1,)), (0,))
        j = c * _L + k
        pltpu.make_async_copy(ut_hbm.at[ur], urows_v.at[j], sem).start()
        pltpu.make_async_copy(it_hbm.at[ir], prows_v.at[j], sem).start()
      return 0

    lax.fori_loop(0, _BPW // _L, fire, 0, unroll=False)

    def drain(c, _):
      pltpu.make_async_copy(ut_hbm.at[0], urows_v.at[0], sem).wait()
      pltpu.make_async_copy(it_hbm.at[0], prows_v.at[0], sem).wait()
      return 0

    lax.fori_loop(0, _BPW, drain, 0, unroll=False)
    pltpu.sync_copy(urows_v, u_out.at[pl.ds(base, _BPW)])
    pltpu.sync_copy(prows_v, p_out.at[pl.ds(base, _BPW)])

  return gather2


def _loss_body(u_ref, p_ref, out_ref):
  i = pl.program_id(0)
  u = u_ref[...]
  p = p_ref[...]
  s = lax.dot_general(
      u, p, (((1,), (1,)), ((), ())),
      preferred_element_type=jnp.float32,
  )
  lse = jnp.log(jnp.sum(jnp.exp(s), axis=1, keepdims=True))
  p_diag = p_ref[pl.ds(i * _BLK, _BLK), :]
  diag = jnp.sum(u * p_diag)
  part = jnp.sum(lse) - diag

  @pl.when(i == 0)
  def _():
    out_ref[0, 0] = 0.0

  out_ref[0, 0] += part


_loss_call = pl.pallas_call(
    _loss_body,
    grid=(_B // _BLK,),
    in_specs=[
        pl.BlockSpec((_BLK, _D), lambda i: (i, 0)),
        pl.BlockSpec((_B, _D), lambda i: (0, 0)),
    ],
    out_specs=pl.BlockSpec(memory_space=pltpu.SMEM),
    out_shape=jax.ShapeDtypeStruct((1, 1), jnp.float32),
)


@jax.jit
def kernel(user_ids, item_ids, user_table, item_table):
  u, p = _make_sc_gather()(user_ids.astype(jnp.int32),
                           item_ids.astype(jnp.int32),
                           user_table, item_table)
  loss = _loss_call(u, p)
  return loss[0, 0]

# --- scband reference (transcript-rebuilt; emitter-appended) ---
"""Pipeline reference for scband-no-base-class-umkmlens-model-45088566673761 (READ-ONLY COPY).

The authoritative reference and input builder live on the scoring server;
editing this copy changes nothing except your own understanding.
"""

import jax, jax.numpy as jnp
import numpy as np

B = 4096
V_USER = 100000
V_ITEM = 100000
D = 32


def setup_inputs(seed: int = 0) -> dict:
    key = jax.random.key(seed)
    k1, k2, k3, k4 = jax.random.split(key, 4)
    return {
        "user_ids": jax.random.randint(k1, (B,), 0, V_USER, dtype=jnp.int64) if jax.config.jax_enable_x64 else jax.random.randint(k1, (B,), 0, V_USER, dtype=jnp.int32),
        "item_ids": jax.random.randint(k2, (B,), 0, V_ITEM, dtype=jnp.int64) if jax.config.jax_enable_x64 else jax.random.randint(k2, (B,), 0, V_ITEM, dtype=jnp.int32),
        "user_table": jax.random.normal(k3, (V_USER + 1, D), dtype=jnp.float32) * 0.05,
        "item_table": jax.random.normal(k4, (V_ITEM + 1, D), dtype=jnp.float32) * 0.05,
    }


def reference(user_ids, item_ids, user_table, item_table):
    # Two-tower retrieval: embedding lookups (SparseCore gathers)
    user_embeddings = jnp.take(user_table, user_ids, axis=0)  # [B, D]
    positive_item_embeddings = jnp.take(item_table, item_ids, axis=0)  # [B, D]
    # tfrs.tasks.Retrieval: in-batch sampled softmax with diagonal labels
    scores = jnp.dot(user_embeddings, positive_item_embeddings.T)  # [B, B]
    labels = jnp.arange(scores.shape[0])
    log_probs = jax.nn.log_softmax(scores, axis=-1)
    # CategoricalCrossentropy(from_logits=True, reduction=SUM) on one-hot diagonal labels
    loss = -jnp.sum(jnp.take_along_axis(log_probs, labels[:, None], axis=1))
    return loss

if __name__ == "__main__":
    import jax
    _d = setup_inputs()
    print(jax.jit(kernel)(*tuple(_d.values())))

</pallas_src>

<mosaic_0001>
#map = affine_map<(d0, d1) -> (0)>
#map1 = affine_map<(d0, d1) -> (0, 0)>
module attributes {stable_mosaic.version = 14 : i64} {
  func.func @gather2(%arg0: i32, %arg1: i32, %arg2: memref<4096xi32, #tpu.memory_space<hbm>>, %arg3: memref<4096xi32, #tpu.memory_space<hbm>>, %arg4: memref<100001x32xf32, #tpu.memory_space<hbm>>, %arg5: memref<100001x32xf32, #tpu.memory_space<hbm>>, %arg6: memref<4096x32xf32, #tpu.memory_space<hbm>>, %arg7: memref<4096x32xf32, #tpu.memory_space<hbm>>, %arg8: memref<128xi32, #tpu.memory_space<vmem>>, %arg9: memref<128xi32, #tpu.memory_space<vmem>>, %arg10: memref<128x32xf32, #tpu.memory_space<vmem>>, %arg11: memref<128x32xf32, #tpu.memory_space<vmem>>, %arg12: memref<!tpu.dma_semaphore, #tpu.memory_space<semaphore_mem>>) attributes {dimension_semantics = [#tpu.dimension_semantics<core_parallel>, #tpu.dimension_semantics<subcore_parallel>], iteration_bounds = array<i64: 2, 16>, scalar_prefetch = 0 : i64, scratch_operands = 5 : i64, tpu.core_type = #tpu.core_type<sc_vector_subcore>, window_params = [{transform_indices = #map}, {transform_indices = #map}, {transform_indices = #map1}, {transform_indices = #map1}, {transform_indices = #map1}, {transform_indices = #map1}]} {
    %mul3A = arith.constant 2 : i32
    %mul3A_0 = arith.muli %arg1, %mul3A : i32
    %add3A = arith.addi %mul3A_0, %arg0 : i32
    %mul3A_1 = arith.constant 128 : i32
    %mul3A_2 = arith.muli %add3A, %mul3A_1 : i32
    %dma_start3A = tpu.memref_slice %arg2[%mul3A_2] : memref<4096xi32, #tpu.memory_space<hbm>> -> memref<128xi32, #tpu.memory_space<hbm>>
    %dma_start3A_3 = tpu.memref_slice %arg2[%mul3A_2] : memref<4096xi32, #tpu.memory_space<hbm>> -> memref<128xi32, #tpu.memory_space<hbm>>
    tpu.enqueue_dma source(%dma_start3A_3 : memref<128xi32, #tpu.memory_space<hbm>>) target(%arg8 : memref<128xi32, #tpu.memory_space<vmem>>) target_semaphore(%arg12 : memref<!tpu.dma_semaphore, #tpu.memory_space<semaphore_mem>>)
    %dma_start3A_4 = tpu.memref_slice %arg3[%mul3A_2] : memref<4096xi32, #tpu.memory_space<hbm>> -> memref<128xi32, #tpu.memory_space<hbm>>
    %dma_start3A_5 = tpu.memref_slice %arg3[%mul3A_2] : memref<4096xi32, #tpu.memory_space<hbm>> -> memref<128xi32, #tpu.memory_space<hbm>>
    tpu.enqueue_dma source(%dma_start3A_5 : memref<128xi32, #tpu.memory_space<hbm>>) target(%arg9 : memref<128xi32, #tpu.memory_space<vmem>>) target_semaphore(%arg12 : memref<!tpu.dma_semaphore, #tpu.memory_space<semaphore_mem>>)
    %dma_wait3A = tpu.memref_slice %arg2[%mul3A_2] : memref<4096xi32, #tpu.memory_space<hbm>> -> memref<128xi32, #tpu.memory_space<hbm>>
    %dma_wait3A_6 = tpu.memref_slice %arg2[%mul3A_2] : memref<4096xi32, #tpu.memory_space<hbm>> -> memref<128xi32, #tpu.memory_space<hbm>>
    tpu.wait_dma2 semaphore(%arg12 : memref<!tpu.dma_semaphore, #tpu.memory_space<semaphore_mem>>) src(%dma_wait3A_6 : memref<128xi32, #tpu.memory_space<hbm>>) dst(%arg8 : memref<128xi32, #tpu.memory_space<vmem>>)
    %dma_wait3A_7 = tpu.memref_slice %arg3[%mul3A_2] : memref<4096xi32, #tpu.memory_space<hbm>> -> memref<128xi32, #tpu.memory_space<hbm>>
    %dma_wait3A_8 = tpu.memref_slice %arg3[%mul3A_2] : memref<4096xi32, #tpu.memory_space<hbm>> -> memref<128xi32, #tpu.memory_space<hbm>>
    tpu.wait_dma2 semaphore(%arg12 : memref<!tpu.dma_semaphore, #tpu.memory_space<semaphore_mem>>) src(%dma_wait3A_8 : memref<128xi32, #tpu.memory_space<hbm>>) dst(%arg9 : memref<128xi32, #tpu.memory_space<vmem>>)
    %scan3A = arith.constant 0 : i32
    %scan3A_9 = arith.constant 0 : i32
    %scan3A_10 = arith.constant 8 : i32
    %scan3A_11 = arith.addi %scan3A_9, %scan3A_10 : i32
    %scan3A_12 = arith.constant 1 : i32
    %scan3A_13 = scf.for %scan3A_22 = %scan3A_9 to %scan3A_11 step %scan3A_12 iter_args(%scan3A_23 = %scan3A) -> (i32)  : i32 {
      %mul3A_24 = arith.constant 16 : i32
      %mul3A_25 = arith.muli %scan3A_22, %mul3A_24 : i32
      %get3A = arith.index_cast %mul3A_25 : i32 to index
      %get3A_26 = tpu.vector_load %arg8[%get3A] {strides = array<i32>} : memref<128xi32, #tpu.memory_space<vmem>>, vector<16xi32>,
      %get3A_27 = vector.shape_cast %get3A_26 : vector<16xi32> to vector<16xi32>
      %mul3A_28 = arith.constant 16 : i32
      %mul3A_29 = arith.muli %scan3A_22, %mul3A_28 : i32
      %get3A_30 = arith.index_cast %mul3A_29 : i32 to index
      %get3A_31 = tpu.vector_load %arg9[%get3A_30] {strides = array<i32>} : memref<128xi32, #tpu.memory_space<vmem>>, vector<16xi32>,
      %get3A_32 = vector.shape_cast %get3A_31 : vector<16xi32> to vector<16xi32>
      %slice3A = vector.extract_strided_slice %get3A_27 {offsets = [0], sizes = [1], strides = [1]} : vector<16xi32> to vector<1xi32>
      %squeeze3A = vector.extract %slice3A[0] : i32 from vector<1xi32>
      %slice3A_33 = vector.extract_strided_slice %get3A_32 {offsets = [0], sizes = [1], strides = [1]} : vector<16xi32> to vector<1xi32>
      %squeeze3A_34 = vector.extract %slice3A_33[0] : i32 from vector<1xi32>
      %mul3A_35 = arith.constant 16 : i32
      %mul3A_36 = arith.muli %scan3A_22, %mul3A_35 : i32
      %add3A_37 = arith.constant 0 : i32
      %add3A_38 = arith.addi %mul3A_36, %add3A_37 : i32
      %dma_start3A_39 = arith.constant 0 : i32
      %dma_start3A_40 = tpu.memref_slice %arg10[%add3A_38, %dma_start3A_39] : memref<128x32xf32, #tpu.memory_space<vmem>> -> memref<1x32xf32, #tpu.memory_space<vmem>>
      %dma_start3A_41 = tpu.memref_squeeze %dma_start3A_40 : memref<1x32xf32, #tpu.memory_space<vmem>> -> memref<32xf32, #tpu.memory_space<vmem>>
      %dma_start3A_42 = arith.constant 0 : i32
      %dma_start3A_43 = tpu.memref_slice %arg4[%squeeze3A, %dma_start3A_42] : memref<100001x32xf32, #tpu.memory_space<hbm>> -> memref<1x32xf32, #tpu.memory_space<hbm>>
      %dma_start3A_44 = tpu.memref_squeeze %dma_start3A_43 : memref<1x32xf32, #tpu.memory_space<hbm>> -> memref<32xf32, #tpu.memory_space<hbm>>
      %dma_start3A_45 = arith.constant 0 : i32
      %dma_start3A_46 = tpu.memref_slice %arg10[%add3A_38, %dma_start3A_45] : memref<128x32xf32, #tpu.memory_space<vmem>> -> memref<1x32xf32, #tpu.memory_space<vmem>>
      %dma_start3A_47 = tpu.memref_squeeze %dma_start3A_46 : memref<1x32xf32, #tpu.memory_space<vmem>> -> memref<32xf32, #tpu.memory_space<vmem>>
      %dma_start3A_48 = arith.constant 0 : i32
      %dma_start3A_49 = tpu.memref_slice %arg4[%squeeze3A, %dma_start3A_48] : memref<100001x32xf32, #tpu.memory_space<hbm>> -> memref<1x32xf32, #tpu.memory_space<hbm>>
      %dma_start3A_50 = tpu.memref_squeeze %dma_start3A_49 : memref<1x32xf32, #tpu.memory_space<hbm>> -> memref<32xf32, #tpu.memory_space<hbm>>
      tpu.enqueue_dma source(%dma_start3A_50 : memref<32xf32, #tpu.memory_space<hbm>>) target(%dma_start3A_47 : memref<32xf32, #tpu.memory_space<vmem>>) target_semaphore(%arg12 : memref<!tpu.dma_semaphore, #tpu.memory_space<semaphore_mem>>)
      %dma_start3A_51 = arith.constant 0 : i32
      %dma_start3A_52 = tpu.memref_slice %arg11[%add3A_38, %dma_start3A_51] : memref<128x32xf32, #tpu.memory_space<vmem>> -> memref<1x32xf32, #tpu.memory_space<vmem>>
      %dma_start3A_53 = tpu.memref_squeeze %dma_start3A_52 : memref<1x32xf32, #tpu.memory_space<vmem>> -> memref<32xf32, #tpu.memory_space<vmem>>
      %dma_start3A_54 = arith.constant 0 : i32
      %dma_start3A_55 = tpu.memref_slice %arg5[%squeeze3A_34, %dma_start3A_54] : memref<100001x32xf32, #tpu.memory_space<hbm>> -> memref<1x32xf32, #tpu.memory_space<hbm>>
      %dma_start3A_56 = tpu.memref_squeeze %dma_start3A_55 : memref<1x32xf32, #tpu.memory_space<hbm>> -> memref<32xf32, #tpu.memory_space<hbm>>
      %dma_start3A_57 = arith.constant 0 : i32
      %dma_start3A_58 = tpu.memref_slice %arg11[%add3A_38, %dma_start3A_57] : memref<128x32xf32, #tpu.memory_space<vmem>> -> memref<1x32xf32, #tpu.memory_space<vmem>>
      %dma_start3A_59 = tpu.memref_squeeze %dma_start3A_58 : memref<1x32xf32, #tpu.memory_space<vmem>> -> memref<32xf32, #tpu.memory_space<vmem>>
      %dma_start3A_60 = arith.constant 0 : i32
      %dma_start3A_61 = tpu.memref_slice %arg5[%squeeze3A_34, %dma_start3A_60] : memref<100001x32xf32, #tpu.memory_space<hbm>> -> memref<1x32xf32, #tpu.memory_space<hbm>>
      %dma_start3A_62 = tpu.memref_squeeze %dma_start3A_61 : memref<1x32xf32, #tpu.memory_space<hbm>> -> memref<32xf32, #tpu.memory_space<hbm>>
      tpu.enqueue_dma source(%dma_start3A_62 : memref<32xf32, #tpu.memory_space<hbm>>) target(%dma_start3A_59 : memref<32xf32, #tpu.memory_space<vmem>>) target_semaphore(%arg12 : memref<!tpu.dma_semaphore, #tpu.memory_space<semaphore_mem>>)
      %slice3A_63 = vector.extract_strided_slice %get3A_27 {offsets = [1], sizes = [1], strides = [1]} : vector<16xi32> to vector<1xi32>
      %squeeze3A_64 = vector.extract %slice3A_63[0] : i32 from vector<1xi32>
      %slice3A_65 = vector.extract_strided_slice %get3A_32 {offsets = [1], sizes = [1], strides = [1]} : vector<16xi32> to vector<1xi32>
      %squeeze3A_66 = vector.extract %slice3A_65[0] : i32 from vector<1xi32>
      %mul3A_67 = arith.constant 16 : i32
      %mul3A_68 = arith.muli %scan3A_22, %mul3A_67 : i32
      %add3A_69 = arith.constant 1 : i32
      %add3A_70 = arith.addi %mul3A_68, %add3A_69 : i32
      %dma_start3A_71 = arith.constant 0 : i32
      %dma_start3A_72 = tpu.memref_slice %arg10[%add3A_70, %dma_start3A_71] : memref<128x32xf32, #tpu.memory_space<vmem>> -> memref<1x32xf32, #tpu.memory_space<vmem>>
      %dma_start3A_73 = tpu.memref_squeeze %dma_start3A_72 : memref<1x32xf32, #tpu.memory_space<vmem>> -> memref<32xf32, #tpu.memory_space<vmem>>
      %dma_start3A_74 = arith.constant 0 : i32
      %dma_start3A_75 = tpu.memref_slice %arg4[%squeeze3A_64, %dma_start3A_74] : memref<100001x32xf32, #tpu.memory_space<hbm>> -> memref<1x32xf32, #tpu.memory_space<hbm>>
      %dma_start3A_76 = tpu.memref_squeeze %dma_start3A_75 : memref<1x32xf32, #tpu.memory_space<hbm>> -> memref<32xf32, #tpu.memory_space<hbm>>
      %dma_start3A_77 = arith.constant 0 : i32
      %dma_start3A_78 = tpu.memref_slice %arg10[%add3A_70, %dma_start3A_77] : memref<128x32xf32, #tpu.memory_space<vmem>> -> memref<1x32xf32, #tpu.memory_space<vmem>>
      %dma_start3A_79 = tpu.memref_squeeze %dma_start3A_78 : memref<1x32xf32, #tpu.memory_space<vmem>> -> memref<32xf32, #tpu.memory_space<vmem>>
      %dma_start3A_80 = arith.constant 0 : i32
      %dma_start3A_81 = tpu.memref_slice %arg4[%squeeze3A_64, %dma_start3A_80] : memref<100001x32xf32, #tpu.memory_space<hbm>> -> memref<1x32xf32, #tpu.memory_space<hbm>>
      %dma_start3A_82 = tpu.memref_squeeze %dma_start3A_81 : memref<1x32xf32, #tpu.memory_space<hbm>> -> memref<32xf32, #tpu.memory_space<hbm>>
      tpu.enqueue_dma source(%dma_start3A_82 : memref<32xf32, #tpu.memory_space<hbm>>) target(%dma_start3A_79 : memref<32xf32, #tpu.memory_space<vmem>>) target_semaphore(%arg12 : memref<!tpu.dma_semaphore, #tpu.memory_space<semaphore_mem>>)
      %dma_start3A_83 = arith.constant 0 : i32
      %dma_start3A_84 = tpu.memref_slice %arg11[%add3A_70, %dma_start3A_83] : memref<128x32xf32, #tpu.memory_space<vmem>> -> memref<1x32xf32, #tpu.memory_space<vmem>>
      %dma_start3A_85 = tpu.memref_squeeze %dma_start3A_84 : memref<1x32xf32, #tpu.memory_space<vmem>> -> memref<32xf32, #tpu.memory_space<vmem>>
      %dma_start3A_86 = arith.constant 0 : i32
      %dma_start3A_87 = tpu.memref_slice %arg5[%squeeze3A_66, %dma_start3A_86] : memref<100001x32xf32, #tpu.memory_space<hbm>> -> memref<1x32xf32, #tpu.memory_space<hbm>>
      %dma_start3A_88 = tpu.memref_squeeze %dma_start3A_87 : memref<1x32xf32, #tpu.memory_space<hbm>> -> memref<32xf32, #tpu.memory_space<hbm>>
      %dma_start3A_89 = arith.constant 0 : i32
      %dma_start3A_90 = tpu.memref_slice %arg11[%add3A_70, %dma_start3A_89] : memref<128x32xf32, #tpu.memory_space<vmem>> -> memref<1x32xf32, #tpu.memory_space<vmem>>
      %dma_start3A_91 = tpu.memref_squeeze %dma_start3A_90 : memref<1x32xf32, #tpu.memory_space<vmem>> -> memref<32xf32, #tpu.memory_space<vmem>>
      %dma_start3A_92 = arith.constant 0 : i32
      %dma_start3A_93 = tpu.memref_slice %arg5[%squeeze3A_66, %dma_start3A_92] : memref<100001x32xf32, #tpu.memory_space<hbm>> -> memref<1x32xf32, #tpu.memory_space<hbm>>
      %dma_start3A_94 = tpu.memref_squeeze %dma_start3A_93 : memref<1x32xf32, #tpu.memory_space<hbm>> -> memref<32xf32, #tpu.memory_space<hbm>>
      tpu.enqueue_dma source(%dma_start3A_94 : memref<32xf32, #tpu.memory_space<hbm>>) target(%dma_start3A_91 : memref<32xf32, #tpu.memory_space<vmem>>) target_semaphore(%arg12 : memref<!tpu.dma_semaphore, #tpu.memory_space<semaphore_mem>>)
      %slice3A_95 = vector.extract_strided_slice %get3A_27 {offsets = [2], sizes = [1], strides = [1]} : vector<16xi32> to vector<1xi32>
      %squeeze3A_96 = vector.extract %slice3A_95[0] : i32 from vector<1xi32>
      %slice3A_97 = vector.extract_strided_slice %get3A_32 {offsets = [2], sizes = [1], strides = [1]} : vector<16xi32> to vector<1xi32>
      %squeeze3A_98 = vector.extract %slice3A_97[0] : i32 from vector<1xi32>
      %mul3A_99 = arith.constant 16 : i32
      %mul3A_100 = arith.muli %scan3A_22, %mul3A_99 : i32
      %add3A_101 = arith.constant 2 : i32
      %add3A_102 = arith.addi %mul3A_100, %add3A_101 : i32
      %dma_start3A_103 = arith.constant 0 : i32
      %dma_start3A_104 = tpu.memref_slice %arg10[%add3A_102, %dma_start3A_103] : memref<128x32xf32, #tpu.memory_space<vmem>> -> memref<1x32xf32, #tpu.memory_space<vmem>>
      %dma_start3A_105 = tpu.memref_squeeze %dma_start3A_104 : memref<1x32xf32, #tpu.memory_space<vmem>> -> memref<32xf32, #tpu.memory_space<vmem>>
      %dma_start3A_106 = arith.constant 0 : i32
      %dma_start3A_107 = tpu.memref_slice %arg4[%squeeze3A_96, %dma_start3A_106] : memref<100001x32xf32, #tpu.memory_space<hbm>> -> memref<1x32xf32, #tpu.memory_space<hbm>>
      %dma_start3A_108 = tpu.memref_squeeze %dma_start3A_107 : memref<1x32xf32, #tpu.memory_space<hbm>> -> memref<32xf32, #tpu.memory_space<hbm>>
      %dma_start3A_109 = arith.constant 0 : i32
      %dma_start3A_110 = tpu.memref_slice %arg10[%add3A_102, %dma_start3A_109] : memref<128x32xf32, #tpu.memory_space<vmem>> -> memref<1x32xf32, #tpu.memory_space<vmem>>
      %dma_start3A_111 = tpu.memref_squeeze %dma_start3A_110 : memref<1x32xf32, #tpu.memory_space<vmem>> -> memref<32xf32, #tpu.memory_space<vmem>>
      %dma_start3A_112 = arith.constant 0 : i32
      %dma_start3A_113 = tpu.memref_slice %arg4[%squeeze3A_96, %dma_start3A_112] : memref<100001x32xf32, #tpu.memory_space<hbm>> -> memref<1x32xf32, #tpu.memory_space<hbm>>
      %dma_start3A_114 = tpu.memref_squeeze %dma_start3A_113 : memref<1x32xf32, #tpu.memory_space<hbm>> -> memref<32xf32, #tpu.memory_space<hbm>>
      tpu.enqueue_dma source(%dma_start3A_114 : memref<32xf32, #tpu.memory_space<hbm>>) target(%dma_start3A_111 : memref<32xf32, #tpu.memory_space<vmem>>) target_semaphore(%arg12 : memref<!tpu.dma_semaphore, #tpu.memory_space<semaphore_mem>>)
      %dma_start3A_115 = arith.constant 0 : i32
      %dma_start3A_116 = tpu.memref_slice %arg11[%add3A_102, %dma_start3A_115] : memref<128x32xf32, #tpu.memory_space<vmem>> -> memref<1x32xf32, #tpu.memory_space<vmem>>
      %dma_start3A_117 = tpu.memref_squeeze %dma_start3A_116 : memref<1x32xf32, #tpu.memory_space<vmem>> -> memref<32xf32, #tpu.memory_space<vmem>>
      %dma_start3A_118 = arith.constant 0 : i32
      %dma_start3A_119 = tpu.memref_slice %arg5[%squeeze3A_98, %dma_start3A_118] : memref<100001x32xf32, #tpu.memory_space<hbm>> -> memref<1x32xf32, #tpu.memory_space<hbm>>
      %dma_start3A_120 = tpu.memref_squeeze %dma_start3A_119 : memref<1x32xf32, #tpu.memory_space<hbm>> -> memref<32xf32, #tpu.memory_space<hbm>>
      %dma_start3A_121 = arith.constant 0 : i32
      %dma_start3A_122 = tpu.memref_slice %arg11[%add3A_102, %dma_start3A_121] : memref<128x32xf32, #tpu.memory_space<vmem>> -> memref<1x32xf32, #tpu.memory_space<vmem>>
      %dma_start3A_123 = tpu.memref_squeeze %dma_start3A_122 : memref<1x32xf32, #tpu.memory_space<vmem>> -> memref<32xf32, #tpu.memory_space<vmem>>
      %dma_start3A_124 = arith.constant 0 : i32
      %dma_start3A_125 = tpu.memref_slice %arg5[%squeeze3A_98, %dma_start3A_124] : memref<100001x32xf32, #tpu.memory_space<hbm>> -> memref<1x32xf32, #tpu.memory_space<hbm>>
      %dma_start3A_126 = tpu.memref_squeeze %dma_start3A_125 : memref<1x32xf32, #tpu.memory_space<hbm>> -> memref<32xf32, #tpu.memory_space<hbm>>
      tpu.enqueue_dma source(%dma_start3A_126 : memref<32xf32, #tpu.memory_space<hbm>>) target(%dma_start3A_123 : memref<32xf32, #tpu.memory_space<vmem>>) target_semaphore(%arg12 : memref<!tpu.dma_semaphore, #tpu.memory_space<semaphore_mem>>)
      %slice3A_127 = vector.extract_strided_slice %get3A_27 {offsets = [3], sizes = [1], strides = [1]} : vector<16xi32> to vector<1xi32>
      %squeeze3A_128 = vector.extract %slice3A_127[0] : i32 from vector<1xi32>
      %slice3A_129 = vector.extract_strided_slice %get3A_32 {offsets = [3], sizes = [1], strides = [1]} : vector<16xi32> to vector<1xi32>
      %squeeze3A_130 = vector.extract %slice3A_129[0] : i32 from vector<1xi32>
      %mul3A_131 = arith.constant 16 : i32
      %mul3A_132 = arith.muli %scan3A_22, %mul3A_131 : i32
      %add3A_133 = arith.constant 3 : i32
      %add3A_134 = arith.addi %mul3A_132, %add3A_133 : i32
      %dma_start3A_135 = arith.constant 0 : i32
      %dma_start3A_136 = tpu.memref_slice %arg10[%add3A_134, %dma_start3A_135] : memref<128x32xf32, #tpu.memory_space<vmem>> -> memref<1x32xf32, #tpu.memory_space<vmem>>
      %dma_start3A_137 = tpu.memref_squeeze %dma_start3A_136 : memref<1x32xf32, #tpu.memory_space<vmem>> -> memref<32xf32, #tpu.memory_space<vmem>>
      %dma_start3A_138 = arith.constant 0 : i32
      %dma_start3A_139 = tpu.memref_slice %arg4[%squeeze3A_128, %dma_start3A_138] : memref<100001x32xf32, #tpu.memory_space<hbm>> -> memref<1x32xf32, #tpu.memory_space<hbm>>
      %dma_start3A_140 = tpu.memref_squeeze %dma_start3A_139 : memref<1x32xf32, #tpu.memory_space<hbm>> -> memref<32xf32, #tpu.memory_space<hbm>>
      %dma_start3A_141 = arith.constant 0 : i32
      %dma_start3A_142 = tpu.memref_slice %arg10[%add3A_134, %dma_start3A_141] : memref<128x32xf32, #tpu.memory_space<vmem>> -> memref<1x32xf32, #tpu.memory_space<vmem>>
      %dma_start3A_143 = tpu.memref_squeeze %dma_start3A_142 : memref<1x32xf32, #tpu.memory_space<vmem>> -> memref<32xf32, #tpu.memory_space<vmem>>
      %dma_start3A_144 = arith.constant 0 : i32
      %dma_start3A_145 = tpu.memref_slice %arg4[%squeeze3A_128, %dma_start3A_144] : memref<100001x32xf32, #tpu.memory_space<hbm>> -> memref<1x32xf32, #tpu.memory_space<hbm>>
      %dma_start3A_146 = tpu.memref_squeeze %dma_start3A_145 : memref<1x32xf32, #tpu.memory_space<hbm>> -> memref<32xf32, #tpu.memory_space<hbm>>
      tpu.enqueue_dma source(%dma_start3A_146 : memref<32xf32, #tpu.memory_space<hbm>>) target(%dma_start3A_143 : memref<32xf32, #tpu.memory_space<vmem>>) target_semaphore(%arg12 : memref<!tpu.dma_semaphore, #tpu.memory_space<semaphore_mem>>)
      %dma_start3A_147 = arith.constant 0 : i32
      %dma_start3A_148 = tpu.memref_slice %arg11[%add3A_134, %dma_start3A_147] : memref<128x32xf32, #tpu.memory_space<vmem>> -> memref<1x32xf32, #tpu.memory_space<vmem>>
      %dma_start3A_149 = tpu.memref_squeeze %dma_start3A_148 : memref<1x32xf32, #tpu.memory_space<vmem>> -> memref<32xf32, #tpu.memory_space<vmem>>
      %dma_start3A_150 = arith.constant 0 : i32
      %dma_start3A_151 = tpu.memref_slice %arg5[%squeeze3A_130, %dma_start3A_150] : memref<100001x32xf32, #tpu.memory_space<hbm>> -> memref<1x32xf32, #tpu.memory_space<hbm>>
      %dma_start3A_152 = tpu.memref_squeeze %dma_start3A_151 : memref<1x32xf32, #tpu.memory_space<hbm>> -> memref<32xf32, #tpu.memory_space<hbm>>
      %dma_start3A_153 = arith.constant 0 : i32
      %dma_start3A_154 = tpu.memref_slice %arg11[%add3A_134, %dma_start3A_153] : memref<128x32xf32, #tpu.memory_space<vmem>> -> memref<1x32xf32, #tpu.memory_space<vmem>>
      %dma_start3A_155 = tpu.memref_squeeze %dma_start3A_154 : memref<1x32xf32, #tpu.memory_space<vmem>> -> memref<32xf32, #tpu.memory_space<vmem>>
      %dma_start3A_156 = arith.constant 0 : i32
      %dma_start3A_157 = tpu.memref_slice %arg5[%squeeze3A_130, %dma_start3A_156] : memref<100001x32xf32, #tpu.memory_space<hbm>> -> memref<1x32xf32, #tpu.memory_space<hbm>>
      %dma_start3A_158 = tpu.memref_squeeze %dma_start3A_157 : memref<1x32xf32, #tpu.memory_space<hbm>> -> memref<32xf32, #tpu.memory_space<hbm>>
      tpu.enqueue_dma source(%dma_start3A_158 : memref<32xf32, #tpu.memory_space<hbm>>) target(%dma_start3A_155 : memref<32xf32, #tpu.memory_space<vmem>>) target_semaphore(%arg12 : memref<!tpu.dma_semaphore, #tpu.memory_space<semaphore_mem>>)
      %slice3A_159 = vector.extract_strided_slice %get3A_27 {offsets = [4], sizes = [1], strides = [1]} : vector<16xi32> to vector<1xi32>
      %squeeze3A_160 = vector.extract %slice3A_159[0] : i32 from vector<1xi32>
      %slice3A_161 = vector.extract_strided_slice %get3A_32 {offsets = [4], sizes = [1], strides = [1]} : vector<16xi32> to vector<1xi32>
      %squeeze3A_162 = vector.extract %slice3A_161[0] : i32 from vector<1xi32>
      %mul3A_163 = arith.constant 16 : i32
      %mul3A_164 = arith.muli %scan3A_22, %mul3A_163 : i32
      %add3A_165 = arith.constant 4 : i32
      %add3A_166 = arith.addi %mul3A_164, %add3A_165 : i32
      %dma_start3A_167 = arith.constant 0 : i32
      %dma_start3A_168 = tpu.memref_slice %arg10[%add3A_166, %dma_start3A_167] : memref<128x32xf32, #tpu.memory_space<vmem>> -> memref<1x32xf32, #tpu.memory_space<vmem>>
      %dma_start3A_169 = tpu.memref_squeeze %dma_start3A_168 : memref<1x32xf32, #tpu.memory_space<vmem>> -> memref<32xf32, #tpu.memory_space<vmem>>
      %dma_start3A_170 = arith.constant 0 : i32
      %dma_start3A_171 = tpu.memref_slice %arg4[%squeeze3A_160, %dma_start3A_170] : memref<100001x32xf32, #tpu.memory_space<hbm>> -> memref<1x32xf32, #tpu.memory_space<hbm>>
      %dma_start3A_172 = tpu.memref_squeeze %dma_start3A_171 : memref<1x32xf32, #tpu.memory_space<hbm>> -> memref<32xf32, #tpu.memory_space<hbm>>
      %dma_start3A_173 = arith.constant 0 : i32
      %dma_start3A_174 = tpu.memref_slice %arg10[%add3A_166, %dma_start3A_173] : memref<128x32xf32, #tpu.memory_space<vmem>> -> memref<1x32xf32, #tpu.memory_space<vmem>>
      %dma_start3A_175 = tpu.memref_squeeze %dma_start3A_174 : memref<1x32xf32, #tpu.memory_space<vmem>> -> memref<32xf32, #tpu.memory_space<vmem>>
      %dma_start3A_176 = arith.constant 0 : i32
      %dma_start3A_177 = tpu.memref_slice %arg4[%squeeze3A_160, %dma_start3A_176] : memref<100001x32xf32, #tpu.memory_space<hbm>> -> memref<1x32xf32, #tpu.memory_space<hbm>>
      %dma_start3A_178 = tpu.memref_squeeze %dma_start3A_177 : memref<1x32xf32, #tpu.memory_space<hbm>> -> memref<32xf32, #tpu.memory_space<hbm>>
      tpu.enqueue_dma source(%dma_start3A_178 : memref<32xf32, #tpu.memory_space<hbm>>) target(%dma_start3A_175 : memref<32xf32, #tpu.memory_space<vmem>>) target_semaphore(%arg12 : memref<!tpu.dma_semaphore, #tpu.memory_space<semaphore_mem>>)
      %dma_start3A_179 = arith.constant 0 : i32
      %dma_start3A_180 = tpu.memref_slice %arg11[%add3A_166, %dma_start3A_179] : memref<128x32xf32, #tpu.memory_space<vmem>> -> memref<1x32xf32, #tpu.memory_space<vmem>>
      %dma_start3A_181 = tpu.memref_squeeze %dma_start3A_180 : memref<1x32xf32, #tpu.memory_space<vmem>> -> memref<32xf32, #tpu.memory_space<vmem>>
      %dma_start3A_182 = arith.constant 0 : i32
      %dma_start3A_183 = tpu.memref_slice %arg5[%squeeze3A_162, %dma_start3A_182] : memref<100001x32xf32, #tpu.memory_space<hbm>> -> memref<1x32xf32, #tpu.memory_space<hbm>>
      %dma_start3A_184 = tpu.memref_squeeze %dma_start3A_183 : memref<1x32xf32, #tpu.memory_space<hbm>> -> memref<32xf32, #tpu.memory_space<hbm>>
      %dma_start3A_185 = arith.constant 0 : i32
      %dma_start3A_186 = tpu.memref_slice %arg11[%add3A_166, %dma_start3A_185] : memref<128x32xf32, #tpu.memory_space<vmem>> -> memref<1x32xf32, #tpu.memory_space<vmem>>
      %dma_start3A_187 = tpu.memref_squeeze %dma_start3A_186 : memref<1x32xf32, #tpu.memory_space<vmem>> -> memref<32xf32, #tpu.memory_space<vmem>>
      %dma_start3A_188 = arith.constant 0 : i32
      %dma_start3A_189 = tpu.memref_slice %arg5[%squeeze3A_162, %dma_start3A_188] : memref<100001x32xf32, #tpu.memory_space<hbm>> -> memref<1x32xf32, #tpu.memory_space<hbm>>
      %dma_start3A_190 = tpu.memref_squeeze %dma_start3A_189 : memref<1x32xf32, #tpu.memory_space<hbm>> -> memref<32xf32, #tpu.memory_space<hbm>>
      tpu.enqueue_dma source(%dma_start3A_190 : memref<32xf32, #tpu.memory_space<hbm>>) target(%dma_start3A_187 : memref<32xf32, #tpu.memory_space<vmem>>) target_semaphore(%arg12 : memref<!tpu.dma_semaphore, #tpu.memory_space<semaphore_mem>>)
      %slice3A_191 = vector.extract_strided_slice %get3A_27 {offsets = [5], sizes = [1], strides = [1]} : vector<16xi32> to vector<1xi32>
      %squeeze3A_192 = vector.extract %slice3A_191[0] : i32 from vector<1xi32>
      %slice3A_193 = vector.extract_strided_slice %get3A_32 {offsets = [5], sizes = [1], strides = [1]} : vector<16xi32> to vector<1xi32>
      %squeeze3A_194 = vector.extract %slice3A_193[0] : i32 from vector<1xi32>
      %mul3A_195 = arith.constant 16 : i32
      %mul3A_196 = arith.muli %scan3A_22, %mul3A_195 : i32
      %add3A_197 = arith.constant 5 : i32
      %add3A_198 = arith.addi %mul3A_196, %add3A_197 : i32
      %dma_start3A_199 = arith.constant 0 : i32
      %dma_start3A_200 = tpu.memref_slice %arg10[%add3A_198, %dma_start3A_199] : memref<128x32xf32, #tpu.memory_space<vmem>> -> memref<1x32xf32, #tpu.memory_space<vmem>>
      %dma_start3A_201 = tpu.memref_squeeze %dma_start3A_200 : memref<1x32xf32, #tpu.memory_space<vmem>> -> memref<32xf32, #tpu.memory_space<vmem>>
      %dma_start3A_202 = arith.constant 0 : i32
      %dma_start3A_203 = tpu.memref_slice %arg4[%squeeze3A_192, %dma_start3A_202] : memref<100001x32xf32, #tpu.memory_space<hbm>> -> memref<1x32xf32, #tpu.memory_space<hbm>>
      %dma_start3A_204 = tpu.memref_squeeze %dma_start3A_203 : memref<1x32xf32, #tpu.memory_space<hbm>> -> memref<32xf32, #tpu.memory_space<hbm>>
      %dma_start3A_205 = arith.constant 0 : i32
      %dma_start3A_206 = tpu.memref_slice %arg10[%add3A_198, %dma_start3A_205] : memref<128x32xf32, #tpu.memory_space<vmem>> -> memref<1x32xf32, #tpu.memory_space<vmem>>
      %dma_start3A_207 = tpu.memref_squeeze %dma_start3A_206 : memref<1x32xf32, #tpu.memory_space<vmem>> -> memref<32xf32, #tpu.memory_space<vmem>>
      %dma_start3A_208 = arith.constant 0 : i32
      %dma_start3A_209 = tpu.memref_slice %arg4[%squeeze3A_192, %dma_start3A_208] : memref<100001x32xf32, #tpu.memory_space<hbm>> -> memref<1x32xf32, #tpu.memory_space<hbm>>
      %dma_start3A_210 = tpu.memref_squeeze %dma_start3A_209 : memref<1x32xf32, #tpu.memory_space<hbm>> -> memref<32xf32, #tpu.memory_space<hbm>>
      tpu.enqueue_dma source(%dma_start3A_210 : memref<32xf32, #tpu.memory_space<hbm>>) target(%dma_start3A_207 : memref<32xf32, #tpu.memory_space<vmem>>) target_semaphore(%arg12 : memref<!tpu.dma_semaphore, #tpu.memory_space<semaphore_mem>>)
      %dma_start3A_211 = arith.constant 0 : i32
      %dma_start3A_212 = tpu.memref_slice %arg11[%add3A_198, %dma_start3A_211] : memref<128x32xf32, #tpu.memory_space<vmem>> -> memref<1x32xf32, #tpu.memory_space<vmem>>
      %dma_start3A_213 = tpu.memref_squeeze %dma_start3A_212 : memref<1x32xf32, #tpu.memory_space<vmem>> -> memref<32xf32, #tpu.memory_space<vmem>>
      %dma_start3A_214 = arith.constant 0 : i32
      %dma_start3A_215 = tpu.memref_slice %arg5[%squeeze3A_194, %dma_start3A_214] : memref<100001x32xf32, #tpu.memory_space<hbm>> -> memref<1x32xf32, #tpu.memory_space<hbm>>
      %dma_start3A_216 = tpu.memref_squeeze %dma_start3A_215 : memref<1x32xf32, #tpu.memory_space<hbm>> -> memref<32xf32, #tpu.memory_space<hbm>>
      %dma_start3A_217 = arith.constant 0 : i32
      %dma_start3A_218 = tpu.memref_slice %arg11[%add3A_198, %dma_start3A_217] : memref<128x32xf32, #tpu.memory_space<vmem>> -> memref<1x32xf32, #tpu.memory_space<vmem>>
      %dma_start3A_219 = tpu.memref_squeeze %dma_start3A_218 : memref<1x32xf32, #tpu.memory_space<vmem>> -> memref<32xf32, #tpu.memory_space<vmem>>
      %dma_start3A_220 = arith.constant 0 : i32
      %dma_start3A_221 = tpu.memref_slice %arg5[%squeeze3A_194, %dma_start3A_220] : memref<100001x32xf32, #tpu.memory_space<hbm>> -> memref<1x32xf32, #tpu.memory_space<hbm>>
      %dma_start3A_222 = tpu.memref_squeeze %dma_start3A_221 : memref<1x32xf32, #tpu.memory_space<hbm>> -> memref<32xf32, #tpu.memory_space<hbm>>
      tpu.enqueue_dma source(%dma_start3A_222 : memref<32xf32, #tpu.memory_space<hbm>>) target(%dma_start3A_219 : memref<32xf32, #tpu.memory_space<vmem>>) target_semaphore(%arg12 : memref<!tpu.dma_semaphore, #tpu.memory_space<semaphore_mem>>)
      %slice3A_223 = vector.extract_strided_slice %get3A_27 {offsets = [6], sizes = [1], strides = [1]} : vector<16xi32> to vector<1xi32>
      %squeeze3A_224 = vector.extract %slice3A_223[0] : i32 from vector<1xi32>
      %slice3A_225 = vector.extract_strided_slice %get3A_32 {offsets = [6], sizes = [1], strides = [1]} : vector<16xi32> to vector<1xi32>
      %squeeze3A_226 = vector.extract %slice3A_225[0] : i32 from vector<1xi32>
      %mul3A_227 = arith.constant 16 : i32
      %mul3A_228 = arith.muli %scan3A_22, %mul3A_227 : i32
      %add3A_229 = arith.constant 6 : i32
      %add3A_230 = arith.addi %mul3A_228, %add3A_229 : i32
      %dma_start3A_231 = arith.constant 0 : i32
      %dma_start3A_232 = tpu.memref_slice %arg10[%add3A_230, %dma_start3A_231] : memref<128x32xf32, #tpu.memory_space<vmem>> -> memref<1x32xf32, #tpu.memory_space<vmem>>
      %dma_start3A_233 = tpu.memref_squeeze %dma_start3A_232 : memref<1x32xf32, #tpu.memory_space<vmem>> -> memref<32xf32, #tpu.memory_space<vmem>>
      %dma_start3A_234 = arith.constant 0 : i32
      %dma_start3A_235 = tpu.memref_slice %arg4[%squeeze3A_224, %dma_start3A_234] : memref<100001x32xf32, #tpu.memory_space<hbm>> -> memref<1x32xf32, #tpu.memory_space<hbm>>
      %dma_start3A_236 = tpu.memref_squeeze %dma_start3A_235 : memref<1x32xf32, #tpu.memory_space<hbm>> -> memref<32xf32, #tpu.memory_space<hbm>>
      %dma_start3A_237 = arith.constant 0 : i32
      %dma_start3A_238 = tpu.memref_slice %arg10[%add3A_230, %dma_start3A_237] : memref<128x32xf32, #tpu.memory_space<vmem>> -> memref<1x32xf32, #tpu.memory_space<vmem>>
      %dma_start3A_239 = tpu.memref_squeeze %dma_start3A_238 : memref<1x32xf32, #tpu.memory_space<vmem>> -> memref<32xf32, #tpu.memory_space<vmem>>
      %dma_start3A_240 = arith.constant 0 : i32
      %dma_start3A_241 = tpu.memref_slice %arg4[%squeeze3A_224, %dma_start3A_240] : memref<100001x32xf32, #tpu.memory_space<hbm>> -> memref<1x32xf32, #tpu.memory_space<hbm>>
      %dma_start3A_242 = tpu.memref_squeeze %dma_start3A_241 : memref<1x32xf32, #tpu.memory_space<hbm>> -> memref<32xf32, #tpu.memory_space<hbm>>
      tpu.enqueue_dma source(%dma_start3A_242 : memref<32xf32, #tpu.memory_space<hbm>>) target(%dma_start3A_239 : memref<32xf32, #tpu.memory_space<vmem>>) target_semaphore(%arg12 : memref<!tpu.dma_semaphore, #tpu.memory_space<semaphore_mem>>)
      %dma_start3A_243 = arith.constant 0 : i32
      %dma_start3A_244 = tpu.memref_slice %arg11[%add3A_230, %dma_start3A_243] : memref<128x32xf32, #tpu.memory_space<vmem>> -> memref<1x32xf32, #tpu.memory_space<vmem>>
      %dma_start3A_245 = tpu.memref_squeeze %dma_start3A_244 : memref<1x32xf32, #tpu.memory_space<vmem>> -> memref<32xf32, #tpu.memory_space<vmem>>
      %dma_start3A_246 = arith.constant 0 : i32
      %dma_start3A_247 = tpu.memref_slice %arg5[%squeeze3A_226, %dma_start3A_246] : memref<100001x32xf32, #tpu.memory_space<hbm>> -> memref<1x32xf32, #tpu.memory_space<hbm>>
      %dma_start3A_248 = tpu.memref_squeeze %dma_start3A_247 : memref<1x32xf32, #tpu.memory_space<hbm>> -> memref<32xf32, #tpu.memory_space<hbm>>
      %dma_start3A_249 = arith.constant 0 : i32
      %dma_start3A_250 = tpu.memref_slice %arg11[%add3A_230, %dma_start3A_249] : memref<128x32xf32, #tpu.memory_space<vmem>> -> memref<1x32xf32, #tpu.memory_space<vmem>>
      %dma_start3A_251 = tpu.memref_squeeze %dma_start3A_250 : memref<1x32xf32, #tpu.memory_space<vmem>> -> memref<32xf32, #tpu.memory_space<vmem>>
      %dma_start3A_252 = arith.constant 0 : i32
      %dma_start3A_253 = tpu.memref_slice %arg5[%squeeze3A_226, %dma_start3A_252] : memref<100001x32xf32, #tpu.memory_space<hbm>> -> memref<1x32xf32, #tpu.memory_space<hbm>>
      %dma_start3A_254 = tpu.memref_squeeze %dma_start3A_253 : memref<1x32xf32, #tpu.memory_space<hbm>> -> memref<32xf32, #tpu.memory_space<hbm>>
      tpu.enqueue_dma source(%dma_start3A_254 : memref<32xf32, #tpu.memory_space<hbm>>) target(%dma_start3A_251 : memref<32xf32, #tpu.memory_space<vmem>>) target_semaphore(%arg12 : memref<!tpu.dma_semaphore, #tpu.memory_space<semaphore_mem>>)
      %slice3A_255 = vector.extract_strided_slice %get3A_27 {offsets = [7], sizes = [1], strides = [1]} : vector<16xi32> to vector<1xi32>
      %squeeze3A_256 = vector.extract %slice3A_255[0] : i32 from vector<1xi32>
      %slice3A_257 = vector.extract_strided_slice %get3A_32 {offsets = [7], sizes = [1], strides = [1]} : vector<16xi32> to vector<1xi32>
      %squeeze3A_258 = vector.extract %slice3A_257[0] : i32 from vector<1xi32>
      %mul3A_259 = arith.constant 16 : i32
      %mul3A_260 = arith.muli %scan3A_22, %mul3A_259 : i32
      %add3A_261 = arith.constant 7 : i32
      %add3A_262 = arith.addi %mul3A_260, %add3A_261 : i32
      %dma_start3A_263 = arith.constant 0 : i32
      %dma_start3A_264 = tpu.memref_slice %arg10[%add3A_262, %dma_start3A_263] : memref<128x32xf32, #tpu.memory_space<vmem>> -> memref<1x32xf32, #tpu.memory_space<vmem>>
      %dma_start3A_265 = tpu.memref_squeeze %dma_start3A_264 : memref<1x32xf32, #tpu.memory_space<vmem>> -> memref<32xf32, #tpu.memory_space<vmem>>
      %dma_start3A_266 = arith.constant 0 : i32
      %dma_start3A_267 = tpu.memref_slice %arg4[%squeeze3A_256, %dma_start3A_266] : memref<100001x32xf32, #tpu.memory_space<hbm>> -> memref<1x32xf32, #tpu.memory_space<hbm>>
      %dma_start3A_268 = tpu.memref_squeeze %dma_start3A_267 : memref<1x32xf32, #tpu.memory_space<hbm>> -> memref<32xf32, #tpu.memory_space<hbm>>
      %dma_start3A_269 = arith.constant 0 : i32
      %dma_start3A_270 = tpu.memref_slice %arg10[%add3A_262, %dma_start3A_269] : memref<128x32xf32, #tpu.memory_space<vmem>> -> memref<1x32xf32, #tpu.memory_space<vmem>>
      %dma_start3A_271 = tpu.memref_squeeze %dma_start3A_270 : memref<1x32xf32, #tpu.memory_space<vmem>> -> memref<32xf32, #tpu.memory_space<vmem>>
      %dma_start3A_272 = arith.constant 0 : i32
      %dma_start3A_273 = tpu.memref_slice %arg4[%squeeze3A_256, %dma_start3A_272] : memref<100001x32xf32, #tpu.memory_space<hbm>> -> memref<1x32xf32, #tpu.memory_space<hbm>>
      %dma_start3A_274 = tpu.memref_squeeze %dma_start3A_273 : memref<1x32xf32, #tpu.memory_space<hbm>> -> memref<32xf32, #tpu.memory_space<hbm>>
      tpu.enqueue_dma source(%dma_start3A_274 : memref<32xf32, #tpu.memory_space<hbm>>) target(%dma_start3A_271 : memref<32xf32, #tpu.memory_space<vmem>>) target_semaphore(%arg12 : memref<!tpu.dma_semaphore, #tpu.memory_space<semaphore_mem>>)
      %dma_start3A_275 = arith.constant 0 : i32
      %dma_start3A_276 = tpu.memref_slice %arg11[%add3A_262, %dma_start3A_275] : memref<128x32xf32, #tpu.memory_space<vmem>> -> memref<1x32xf32, #tpu.memory_space<vmem>>
      %dma_start3A_277 = tpu.memref_squeeze %dma_start3A_276 : memref<1x32xf32, #tpu.memory_space<vmem>> -> memref<32xf32, #tpu.memory_space<vmem>>
      %dma_start3A_278 = arith.constant 0 : i32
      %dma_start3A_279 = tpu.memref_slice %arg5[%squeeze3A_258, %dma_start3A_278] : memref<100001x32xf32, #tpu.memory_space<hbm>> -> memref<1x32xf32, #tpu.memory_space<hbm>>
      %dma_start3A_280 = tpu.memref_squeeze %dma_start3A_279 : memref<1x32xf32, #tpu.memory_space<hbm>> -> memref<32xf32, #tpu.memory_space<hbm>>
      %dma_start3A_281 = arith.constant 0 : i32
      %dma_start3A_282 = tpu.memref_slice %arg11[%add3A_262, %dma_start3A_281] : memref<128x32xf32, #tpu.memory_space<vmem>> -> memref<1x32xf32, #tpu.memory_space<vmem>>
      %dma_start3A_283 = tpu.memref_squeeze %dma_start3A_282 : memref<1x32xf32, #tpu.memory_space<vmem>> -> memref<32xf32, #tpu.memory_space<vmem>>
      %dma_start3A_284 = arith.constant 0 : i32
      %dma_start3A_285 = tpu.memref_slice %arg5[%squeeze3A_258, %dma_start3A_284] : memref<100001x32xf32, #tpu.memory_space<hbm>> -> memref<1x32xf32, #tpu.memory_space<hbm>>
      %dma_start3A_286 = tpu.memref_squeeze %dma_start3A_285 : memref<1x32xf32, #tpu.memory_space<hbm>> -> memref<32xf32, #tpu.memory_space<hbm>>
      tpu.enqueue_dma source(%dma_start3A_286 : memref<32xf32, #tpu.memory_space<hbm>>) target(%dma_start3A_283 : memref<32xf32, #tpu.memory_space<vmem>>) target_semaphore(%arg12 : memref<!tpu.dma_semaphore, #tpu.memory_space<semaphore_mem>>)
      %slice3A_287 = vector.extract_strided_slice %get3A_27 {offsets = [8], sizes = [1], strides = [1]} : vector<16xi32> to vector<1xi32>
      %squeeze3A_288 = vector.extract %slice3A_287[0] : i32 from vector<1xi32>
      %slice3A_289 = vector.extract_strided_slice %get3A_32 {offsets = [8], sizes = [1], strides = [1]} : vector<16xi32> to vector<1xi32>
      %squeeze3A_290 = vector.extract %slice3A_289[0] : i32 from vector<1xi32>
      %mul3A_291 = arith.constant 16 : i32
      %mul3A_292 = arith.muli %scan3A_22, %mul3A_291 : i32
      %add3A_293 = arith.constant 8 : i32
      %add3A_294 = arith.addi %mul3A_292, %add3A_293 : i32
      %dma_start3A_295 = arith.constant 0 : i32
      %dma_start3A_296 = tpu.memref_slice %arg10[%add3A_294, %dma_start3A_295] : memref<128x32xf32, #tpu.memory_space<vmem>> -> memref<1x32xf32, #tpu.memory_space<vmem>>
      %dma_start3A_297 = tpu.memref_squeeze %dma_start3A_296 : memref<1x32xf32, #tpu.memory_space<vmem>> -> memref<32xf32, #tpu.memory_space<vmem>>
      %dma_start3A_298 = arith.constant 0 : i32
      %dma_start3A_299 = tpu.memref_slice %arg4[%squeeze3A_288, %dma_start3A_298] : memref<100001x32xf32, #tpu.memory_space<hbm>> -> memref<1x32xf32, #tpu.memory_space<hbm>>
      %dma_start3A_300 = tpu.memref_squeeze %dma_start3A_299 : memref<1x32xf32, #tpu.memory_space<hbm>> -> memref<32xf32, #tpu.memory_space<hbm>>
      %dma_start3A_301 = arith.constant 0 : i32
      %dma_start3A_302 = tpu.memref_slice %arg10[%add3A_294, %dma_start3A_301] : memref<128x32xf32, #tpu.memory_space<vmem>> -> memref<1x32xf32, #tpu.memory_space<vmem>>
      %dma_start3A_303 = tpu.memref_squeeze %dma_start3A_302 : memref<1x32xf32, #tpu.memory_space<vmem>> -> memref<32xf32, #tpu.memory_space<vmem>>
      %dma_start3A_304 = arith.constant 0 : i32
      %dma_start3A_305 = tpu.memref_slice %arg4[%squeeze3A_288, %dma_start3A_304] : memref<100001x32xf32, #tpu.memory_space<hbm>> -> memref<1x32xf32, #tpu.memory_space<hbm>>
      %dma_start3A_306 = tpu.memref_squeeze %dma_start3A_305 : memref<1x32xf32, #tpu.memory_space<hbm>> -> memref<32xf32, #tpu.memory_space<hbm>>
      tpu.enqueue_dma source(%dma_start3A_306 : memref<32xf32, #tpu.memory_space<hbm>>) target(%dma_start3A_303 : memref<32xf32, #tpu.memory_space<vmem>>) target_semaphore(%arg12 : memref<!tpu.dma_semaphore, #tpu.memory_space<semaphore_mem>>)
      %dma_start3A_307 = arith.constant 0 : i32
      %dma_start3A_308 = tpu.memref_slice %arg11[%add3A_294, %dma_start3A_307] : memref<128x32xf32, #tpu.memory_space<vmem>> -> memref<1x32xf32, #tpu.memory_space<vmem>>
      %dma_start3A_309 = tpu.memref_squeeze %dma_start3A_308 : memref<1x32xf32, #tpu.memory_space<vmem>> -> memref<32xf32, #tpu.memory_space<vmem>>
      %dma_start3A_310 = arith.constant 0 : i32
      %dma_start3A_311 = tpu.memref_slice %arg5[%squeeze3A_290, %dma_start3A_310] : memref<100001x32xf32, #tpu.memory_space<hbm>> -> memref<1x32xf32, #tpu.memory_space<hbm>>
      %dma_start3A_312 = tpu.memref_squeeze %dma_start3A_311 : memref<1x32xf32, #tpu.memory_space<hbm>> -> memref<32xf32, #tpu.memory_space<hbm>>
      %dma_start3A_313 = arith.constant 0 : i32
      %dma_start3A_314 = tpu.memref_slice %arg11[%add3A_294, %dma_start3A_313] : memref<128x32xf32, #tpu.memory_space<vmem>> -> memref<1x32xf32, #tpu.memory_space<vmem>>
      %dma_start3A_315 = tpu.memref_squeeze %dma_start3A_314 : memref<1x32xf32, #tpu.memory_space<vmem>> -> memref<32xf32, #tpu.memory_space<vmem>>
      %dma_start3A_316 = arith.constant 0 : i32
      %dma_start3A_317 = tpu.memref_slice %arg5[%squeeze3A_290, %dma_start3A_316] : memref<100001x32xf32, #tpu.memory_space<hbm>> -> memref<1x32xf32, #tpu.memory_space<hbm>>
      %dma_start3A_318 = tpu.memref_squeeze %dma_start3A_317 : memref<1x32xf32, #tpu.memory_space<hbm>> -> memref<32xf32, #tpu.memory_space<hbm>>
      tpu.enqueue_dma source(%dma_start3A_318 : memref<32xf32, #tpu.memory_space<hbm>>) target(%dma_start3A_315 : memref<32xf32, #tpu.memory_space<vmem>>) target_semaphore(%arg12 : memref<!tpu.dma_semaphore, #tpu.memory_space<semaphore_mem>>)
      %slice3A_319 = vector.extract_strided_slice %get3A_27 {offsets = [9], sizes = [1], strides = [1]} : vector<16xi32> to vector<1xi32>
      %squeeze3A_320 = vector.extract %slice3A_319[0] : i32 from vector<1xi32>
      %slice3A_321 = vector.extract_strided_slice %get3A_32 {offsets = [9], sizes = [1], strides = [1]} : vector<16xi32> to vector<1xi32>
      %squeeze3A_322 = vector.extract %slice3A_321[0] : i32 from vector<1xi32>
      %mul3A_323 = arith.constant 16 : i32
      %mul3A_324 = arith.muli %scan3A_22, %mul3A_323 : i32
      %add3A_325 = arith.constant 9 : i32
      %add3A_326 = arith.addi %mul3A_324, %add3A_325 : i32
      %dma_start3A_327 = arith.constant 0 : i32
      %dma_start3A_328 = tpu.memref_slice %arg10[%add3A_326, %dma_start3A_327] : memref<128x32xf32, #tpu.memory_space<vmem>> -> memref<1x32xf32, #tpu.memory_space<vmem>>
      %dma_start3A_329 = tpu.memref_squeeze %dma_start3A_328 : memref<1x32xf32, #tpu.memory_space<vmem>> -> memref<32xf32, #tpu.memory_space<vmem>>
      %dma_start3A_330 = arith.constant 0 : i32
      %dma_start3A_331 = tpu.memref_slice %arg4[%squeeze3A_320, %dma_start3A_330] : memref<100001x32xf32, #tpu.memory_space<hbm>> -> memref<1x32xf32, #tpu.memory_space<hbm>>
      %dma_start3A_332 = tpu.memref_squeeze %dma_start3A_331 : memref<1x32xf32, #tpu.memory_space<hbm>> -> memref<32xf32, #tpu.memory_space<hbm>>
      %dma_start3A_333 = arith.constant 0 : i32
      %dma_start3A_334 = tpu.memref_slice %arg10[%add3A_326, %dma_start3A_333] : memref<128x32xf32, #tpu.memory_space<vmem>> -> memref<1x32xf32, #tpu.memory_space<vmem>>
      %dma_start3A_335 = tpu.memref_squeeze %dma_start3A_334 : memref<1x32xf32, #tpu.memory_space<vmem>> -> memref<32xf32, #tpu.memory_space<vmem>>
      %dma_start3A_336 = arith.constant 0 : i32
      %dma_start3A_337 = tpu.memref_slice %arg4[%squeeze3A_320, %dma_start3A_336] : memref<100001x32xf32, #tpu.memory_space<hbm>> -> memref<1x32xf32, #tpu.memory_space<hbm>>
      %dma_start3A_338 = tpu.memref_squeeze %dma_start3A_337 : memref<1x32xf32, #tpu.memory_space<hbm>> -> memref<32xf32, #tpu.memory_space<hbm>>
      tpu.enqueue_dma source(%dma_start3A_338 : memref<32xf32, #tpu.memory_space<hbm>>) target(%dma_start3A_335 : memref<32xf32, #tpu.memory_space<vmem>>) target_semaphore(%arg12 : memref<!tpu.dma_semaphore, #tpu.memory_space<semaphore_mem>>)
      %dma_start3A_339 = arith.constant 0 : i32
      %dma_start3A_340 = tpu.memref_slice %arg11[%add3A_326, %dma_start3A_339] : memref<128x32xf32, #tpu.memory_space<vmem>> -> memref<1x32xf32, #tpu.memory_space<vmem>>
      %dma_start3A_341 = tpu.memref_squeeze %dma_start3A_340 : memref<1x32xf32, #tpu.memory_space<vmem>> -> memref<32xf32, #tpu.memory_space<vmem>>
      %dma_start3A_342 = arith.constant 0 : i32
      %dma_start3A_343 = tpu.memref_slice %arg5[%squeeze3A_322, %dma_start3A_342] : memref<100001x32xf32, #tpu.memory_space<hbm>> -> memref<1x32xf32, #tpu.memory_space<hbm>>
      %dma_start3A_344 = tpu.memref_squeeze %dma_start3A_343 : memref<1x32xf32, #tpu.memory_space<hbm>> -> memref<32xf32, #tpu.memory_space<hbm>>
      %dma_start3A_345 = arith.constant 0 : i32
      %dma_start3A_346 = tpu.memref_slice %arg11[%add3A_326, %dma_start3A_345] : memref<128x32xf32, #tpu.memory_space<vmem>> -> memref<1x32xf32, #tpu.memory_space<vmem>>
      %dma_start3A_347 = tpu.memref_squeeze %dma_start3A_346 : memref<1x32xf32, #tpu.memory_space<vmem>> -> memref<32xf32, #tpu.memory_space<vmem>>
      %dma_start3A_348 = arith.constant 0 : i32
      %dma_start3A_349 = tpu.memref_slice %arg5[%squeeze3A_322, %dma_start3A_348] : memref<100001x32xf32, #tpu.memory_space<hbm>> -> memref<1x32xf32, #tpu.memory_space<hbm>>
      %dma_start3A_350 = tpu.memref_squeeze %dma_start3A_349 : memref<1x32xf32, #tpu.memory_space<hbm>> -> memref<32xf32, #tpu.memory_space<hbm>>
      tpu.enqueue_dma source(%dma_start3A_350 : memref<32xf32, #tpu.memory_space<hbm>>) target(%dma_start3A_347 : memref<32xf32, #tpu.memory_space<vmem>>) target_semaphore(%arg12 : memref<!tpu.dma_semaphore, #tpu.memory_space<semaphore_mem>>)
      %slice3A_351 = vector.extract_strided_slice %get3A_27 {offsets = [10], sizes = [1], strides = [1]} : vector<16xi32> to vector<1xi32>
      %squeeze3A_352 = vector.extract %slice3A_351[0] : i32 from vector<1xi32>
      %slice3A_353 = vector.extract_strided_slice %get3A_32 {offsets = [10], sizes = [1], strides = [1]} : vector<16xi32> to vector<1xi32>
      %squeeze3A_354 = vector.extract %slice3A_353[0] : i32 from vector<1xi32>
      %mul3A_355 = arith.constant 16 : i32
      %mul3A_356 = arith.muli %scan3A_22, %mul3A_355 : i32
      %add3A_357 = arith.constant 10 : i32
      %add3A_358 = arith.addi %mul3A_356, %add3A_357 : i32
      %dma_start3A_359 = arith.constant 0 : i32
      %dma_start3A_360 = tpu.memref_slice %arg10[%add3A_358, %dma_start3A_359] : memref<128x32xf32, #tpu.memory_space<vmem>> -> memref<1x32xf32, #tpu.memory_space<vmem>>
      %dma_start3A_361 = tpu.memref_squeeze %dma_start3A_360 : memref<1x32xf32, #tpu.memory_space<vmem>> -> memref<32xf32, #tpu.memory_space<vmem>>
      %dma_start3A_362 = arith.constant 0 : i32
      %dma_start3A_363 = tpu.memref_slice %arg4[%squeeze3A_352, %dma_start3A_362] : memref<100001x32xf32, #tpu.memory_space<hbm>> -> memref<1x32xf32, #tpu.memory_space<hbm>>
      %dma_start3A_364 = tpu.memref_squeeze %dma_start3A_363 : memref<1x32xf32, #tpu.memory_space<hbm>> -> memref<32xf32, #tpu.memory_space<hbm>>
      %dma_start3A_365 = arith.constant 0 : i32
      %dma_start3A_366 = tpu.memref_slice %arg10[%add3A_358, %dma_start3A_365] : memref<128x32xf32, #tpu.memory_space<vmem>> -> memref<1x32xf32, #tpu.memory_space<vmem>>
      %dma_start3A_367 = tpu.memref_squeeze %dma_start3A_366 : memref<1x32xf32, #tpu.memory_space<vmem>> -> memref<32xf32, #tpu.memory_space<vmem>>
      %dma_start3A_368 = arith.constant 0 : i32
      %dma_start3A_369 = tpu.memref_slice %arg4[%squeeze3A_352, %dma_start3A_368] : memref<100001x32xf32, #tpu.memory_space<hbm>> -> memref<1x32xf32, #tpu.memory_space<hbm>>
      %dma_start3A_370 = tpu.memref_squeeze %dma_start3A_369 : memref<1x32xf32, #tpu.memory_space<hbm>> -> memref<32xf32, #tpu.memory_space<hbm>>
      tpu.enqueue_dma source(%dma_start3A_370 : memref<32xf32, #tpu.memory_space<hbm>>) target(%dma_start3A_367 : memref<32xf32, #tpu.memory_space<vmem>>) target_semaphore(%arg12 : memref<!tpu.dma_semaphore, #tpu.memory_space<semaphore_mem>>)
      %dma_start3A_371 = arith.constant 0 : i32
      %dma_start3A_372 = tpu.memref_slice %arg11[%add3A_358, %dma_start3A_371] : memref<128x32xf32, #tpu.memory_space<vmem>> -> memref<1x32xf32, #tpu.memory_space<vmem>>
      %dma_start3A_373 = tpu.memref_squeeze %dma_start3A_372 : memref<1x32xf32, #tpu.memory_space<vmem>> -> memref<32xf32, #tpu.memory_space<vmem>>
      %dma_start3A_374 = arith.constant 0 : i32
      %dma_start3A_375 = tpu.memref_slice %arg5[%squeeze3A_354, %dma_start3A_374] : memref<100001x32xf32, #tpu.memory_space<hbm>> -> memref<1x32xf32, #tpu.memory_space<hbm>>
      %dma_start3A_376 = tpu.memref_squeeze %dma_start3A_375 : memref<1x32xf32, #tpu.memory_space<hbm>> -> memref<32xf32, #tpu.memory_space<hbm>>
      %dma_start3A_377 = arith.constant 0 : i32
      %dma_start3A_378 = tpu.memref_slice %arg11[%add3A_358, %dma_start3A_377] : memref<128x32xf32, #tpu.memory_space<vmem>> -> memref<1x32xf32, #tpu.memory_space<vmem>>
      %dma_start3A_379 = tpu.memref_squeeze %dma_start3A_378 : memref<1x32xf32, #tpu.memory_space<vmem>> -> memref<32xf32, #tpu.memory_space<vmem>>
      %dma_start3A_380 = arith.constant 0 : i32
      %dma_start3A_381 = tpu.memref_slice %arg5[%squeeze3A_354, %dma_start3A_380] : memref<100001x32xf32, #tpu.memory_space<hbm>> -> memref<1x32xf32, #tpu.memory_space<hbm>>
      %dma_start3A_382 = tpu.memref_squeeze %dma_start3A_381 : memref<1x32xf32, #tpu.memory_space<hbm>> -> memref<32xf32, #tpu.memory_space<hbm>>
      tpu.enqueue_dma source(%dma_start3A_382 : memref<32xf32, #tpu.memory_space<hbm>>) target(%dma_start3A_379 : memref<32xf32, #tpu.memory_space<vmem>>) target_semaphore(%arg12 : memref<!tpu.dma_semaphore, #tpu.memory_space<semaphore_mem>>)
      %slice3A_383 = vector.extract_strided_slice %get3A_27 {offsets = [11], sizes = [1], strides = [1]} : vector<16xi32> to vector<1xi32>
      %squeeze3A_384 = vector.extract %slice3A_383[0] : i32 from vector<1xi32>
      %slice3A_385 = vector.extract_strided_slice %get3A_32 {offsets = [11], sizes = [1], strides = [1]} : vector<16xi32> to vector<1xi32>
      %squeeze3A_386 = vector.extract %slice3A_385[0] : i32 from vector<1xi32>
      %mul3A_387 = arith.constant 16 : i32
      %mul3A_388 = arith.muli %scan3A_22, %mul3A_387 : i32
      %add3A_389 = arith.constant 11 : i32
      %add3A_390 = arith.addi %mul3A_388, %add3A_389 : i32
      %dma_start3A_391 = arith.constant 0 : i32
      %dma_start3A_392 = tpu.memref_slice %arg10[%add3A_390, %dma_start3A_391] : memref<128x32xf32, #tpu.memory_space<vmem>> -> memref<1x32xf32, #tpu.memory_space<vmem>>
      %dma_start3A_393 = tpu.memref_squeeze %dma_start3A_392 : memref<1x32xf32, #tpu.memory_space<vmem>> -> memref<32xf32, #tpu.memory_space<vmem>>
      %dma_start3A_394 = arith.constant 0 : i32
      %dma_start3A_395 = tpu.memref_slice %arg4[%squeeze3A_384, %dma_start3A_394] : memref<100001x32xf32, #tpu.memory_space<hbm>> -> memref<1x32xf32, #tpu.memory_space<hbm>>
      %dma_start3A_396 = tpu.memref_squeeze %dma_start3A_395 : memref<1x32xf32, #tpu.memory_space<hbm>> -> memref<32xf32, #tpu.memory_space<hbm>>
      %dma_start3A_397 = arith.constant 0 : i32
      %dma_start3A_398 = tpu.memref_slice %arg10[%add3A_390, %dma_start3A_397] : memref<128x32xf32, #tpu.memory_space<vmem>> -> memref<1x32xf32, #tpu.memory_space<vmem>>
      %dma_start3A_399 = tpu.memref_squeeze %dma_start3A_398 : memref<1x32xf32, #tpu.memory_space<vmem>> -> memref<32xf32, #tpu.memory_space<vmem>>
      %dma_start3A_400 = arith.constant 0 : i32
      %dma_start3A_401 = tpu.memref_slice %arg4[%squeeze3A_384, %dma_start3A_400] : memref<100001x32xf32, #tpu.memory_space<hbm>> -> memref<1x32xf32, #tpu.memory_space<hbm>>
      %dma_start3A_402 = tpu.memref_squeeze %dma_start3A_401 : memref<1x32xf32, #tpu.memory_space<hbm>> -> memref<32xf32, #tpu.memory_space<hbm>>
      tpu.enqueue_dma source(%dma_start3A_402 : memref<32xf32, #tpu.memory_space<hbm>>) target(%dma_start3A_399 : memref<32xf32, #tpu.memory_space<vmem>>) target_semaphore(%arg12 : memref<!tpu.dma_semaphore, #tpu.memory_space<semaphore_mem>>)
      %dma_start3A_403 = arith.constant 0 : i32
      %dma_start3A_404 = tpu.memref_slice %arg11[%add3A_390, %dma_start3A_403] : memref<128x32xf32, #tpu.memory_space<vmem>> -> memref<1x32xf32, #tpu.memory_space<vmem>>
      %dma_start3A_405 = tpu.memref_squeeze %dma_start3A_404 : memref<1x32xf32, #tpu.memory_space<vmem>> -> memref<32xf32, #tpu.memory_space<vmem>>
      %dma_start3A_406 = arith.constant 0 : i32
      %dma_start3A_407 = tpu.memref_slice %arg5[%squeeze3A_386, %dma_start3A_406] : memref<100001x32xf32, #tpu.memory_space<hbm>> -> memref<1x32xf32, #tpu.memory_space<hbm>>
      %dma_start3A_408 = tpu.memref_squeeze %dma_start3A_407 : memref<1x32xf32, #tpu.memory_space<hbm>> -> memref<32xf32, #tpu.memory_space<hbm>>
      %dma_start3A_409 = arith.constant 0 : i32
      %dma_start3A_410 = tpu.memref_slice %arg11[%add3A_390, %dma_start3A_409] : memref<128x32xf32, #tpu.memory_space<vmem>> -> memref<1x32xf32, #tpu.memory_space<vmem>>
      %dma_start3A_411 = tpu.memref_squeeze %dma_start3A_410 : memref<1x32xf32, #tpu.memory_space<vmem>> -> memref<32xf32, #tpu.memory_space<vmem>>
      %dma_start3A_412 = arith.constant 0 : i32
      %dma_start3A_413 = tpu.memref_slice %arg5[%squeeze3A_386, %dma_start3A_412] : memref<100001x32xf32, #tpu.memory_space<hbm>> -> memref<1x32xf32, #tpu.memory_space<hbm>>
      %dma_start3A_414 = tpu.memref_squeeze %dma_start3A_413 : memref<1x32xf32, #tpu.memory_space<hbm>> -> memref<32xf32, #tpu.memory_space<hbm>>
      tpu.enqueue_dma source(%dma_start3A_414 : memref<32xf32, #tpu.memory_space<hbm>>) target(%dma_start3A_411 : memref<32xf32, #tpu.memory_space<vmem>>) target_semaphore(%arg12 : memref<!tpu.dma_semaphore, #tpu.memory_space<semaphore_mem>>)
      %slice3A_415 = vector.extract_strided_slice %get3A_27 {offsets = [12], sizes = [1], strides = [1]} : vector<16xi32> to vector<1xi32>
      %squeeze3A_416 = vector.extract %slice3A_415[0] : i32 from vector<1xi32>
      %slice3A_417 = vector.extract_strided_slice %get3A_32 {offsets = [12], sizes = [1], strides = [1]} : vector<16xi32> to vector<1xi32>
      %squeeze3A_418 = vector.extract %slice3A_417[0] : i32 from vector<1xi32>
      %mul3A_419 = arith.constant 16 : i32
      %mul3A_420 = arith.muli %scan3A_22, %mul3A_419 : i32
      %add3A_421 = arith.constant 12 : i32
      %add3A_422 = arith.addi %mul3A_420, %add3A_421 : i32
      %dma_start3A_423 = arith.constant 0 : i32
      %dma_start3A_424 = tpu.memref_slice %arg10[%add3A_422, %dma_start3A_423] : memref<128x32xf32, #tpu.memory_space<vmem>> -> memref<1x32xf32, #tpu.memory_space<vmem>>
      %dma_start3A_425 = tpu.memref_squeeze %dma_start3A_424 : memref<1x32xf32, #tpu.memory_space<vmem>> -> memref<32xf32, #tpu.memory_space<vmem>>
      %dma_start3A_426 = arith.constant 0 : i32
      %dma_start3A_427 = tpu.memref_slice %arg4[%squeeze3A_416, %dma_start3A_426] : memref<100001x32xf32, #tpu.memory_space<hbm>> -> memref<1x32xf32, #tpu.memory_space<hbm>>
      %dma_start3A_428 = tpu.memref_squeeze %dma_start3A_427 : memref<1x32xf32, #tpu.memory_space<hbm>> -> memref<32xf32, #tpu.memory_space<hbm>>
      %dma_start3A_429 = arith.constant 0 : i32
      %dma_start3A_430 = tpu.memref_slice %arg10[%add3A_422, %dma_start3A_429] : memref<128x32xf32, #tpu.memory_space<vmem>> -> memref<1x32xf32, #tpu.memory_space<vmem>>
      %dma_start3A_431 = tpu.memref_squeeze %dma_start3A_430 : memref<1x32xf32, #tpu.memory_space<vmem>> -> memref<32xf32, #tpu.memory_space<vmem>>
      %dma_start3A_432 = arith.constant 0 : i32
      %dma_start3A_433 = tpu.memref_slice %arg4[%squeeze3A_416, %dma_start3A_432] : memref<100001x32xf32, #tpu.memory_space<hbm>> -> memref<1x32xf32, #tpu.memory_space<hbm>>
      %dma_start3A_434 = tpu.memref_squeeze %dma_start3A_433 : memref<1x32xf32, #tpu.memory_space<hbm>> -> memref<32xf32, #tpu.memory_space<hbm>>
      tpu.enqueue_dma source(%dma_start3A_434 : memref<32xf32, #tpu.memory_space<hbm>>) target(%dma_start3A_431 : memref<32xf32, #tpu.memory_space<vmem>>) target_semaphore(%arg12 : memref<!tpu.dma_semaphore, #tpu.memory_space<semaphore_mem>>)
      %dma_start3A_435 = arith.constant 0 : i32
      %dma_start3A_436 = tpu.memref_slice %arg11[%add3A_422, %dma_start3A_435] : memref<128x32xf32, #tpu.memory_space<vmem>> -> memref<1x32xf32, #tpu.memory_space<vmem>>
      %dma_start3A_437 = tpu.memref_squeeze %dma_start3A_436 : memref<1x32xf32, #tpu.memory_space<vmem>> -> memref<32xf32, #tpu.memory_space<vmem>>
      %dma_start3A_438 = arith.constant 0 : i32
      %dma_start3A_439 = tpu.memref_slice %arg5[%squeeze3A_418, %dma_start3A_438] : memref<100001x32xf32, #tpu.memory_space<hbm>> -> memref<1x32xf32, #tpu.memory_space<hbm>>
      %dma_start3A_440 = tpu.memref_squeeze %dma_start3A_439 : memref<1x32xf32, #tpu.memory_space<hbm>> -> memref<32xf32, #tpu.memory_space<hbm>>
      %dma_start3A_441 = arith.constant 0 : i32
      %dma_start3A_442 = tpu.memref_slice %arg11[%add3A_422, %dma_start3A_441] : memref<128x32xf32, #tpu.memory_space<vmem>> -> memref<1x32xf32, #tpu.memory_space<vmem>>
      %dma_start3A_443 = tpu.memref_squeeze %dma_start3A_442 : memref<1x32xf32, #tpu.memory_space<vmem>> -> memref<32xf32, #tpu.memory_space<vmem>>
      %dma_start3A_444 = arith.constant 0 : i32
      %dma_start3A_445 = tpu.memref_slice %arg5[%squeeze3A_418, %dma_start3A_444] : memref<100001x32xf32, #tpu.memory_space<hbm>> -> memref<1x32xf32, #tpu.memory_space<hbm>>
      %dma_start3A_446 = tpu.memref_squeeze %dma_start3A_445 : memref<1x32xf32, #tpu.memory_space<hbm>> -> memref<32xf32, #tpu.memory_space<hbm>>
      tpu.enqueue_dma source(%dma_start3A_446 : memref<32xf32, #tpu.memory_space<hbm>>) target(%dma_start3A_443 : memref<32xf32, #tpu.memory_space<vmem>>) target_semaphore(%arg12 : memref<!tpu.dma_semaphore, #tpu.memory_space<semaphore_mem>>)
      %slice3A_447 = vector.extract_strided_slice %get3A_27 {offsets = [13], sizes = [1], strides = [1]} : vector<16xi32> to vector<1xi32>
      %squeeze3A_448 = vector.extract %slice3A_447[0] : i32 from vector<1xi32>
      %slice3A_449 = vector.extract_strided_slice %get3A_32 {offsets = [13], sizes = [1], strides = [1]} : vector<16xi32> to vector<1xi32>
      %squeeze3A_450 = vector.extract %slice3A_449[0] : i32 from vector<1xi32>
      %mul3A_451 = arith.constant 16 : i32
      %mul3A_452 = arith.muli %scan3A_22, %mul3A_451 : i32
      %add3A_453 = arith.constant 13 : i32
      %add3A_454 = arith.addi %mul3A_452, %add3A_453 : i32
      %dma_start3A_455 = arith.constant 0 : i32
      %dma_start3A_456 = tpu.memref_slice %arg10[%add3A_454, %dma_start3A_455] : memref<128x32xf32, #tpu.memory_space<vmem>> -> memref<1x32xf32, #tpu.memory_space<vmem>>
      %dma_start3A_457 = tpu.memref_squeeze %dma_start3A_456 : memref<1x32xf32, #tpu.memory_space<vmem>> -> memref<32xf32, #tpu.memory_space<vmem>>
      %dma_start3A_458 = arith.constant 0 : i32
      %dma_start3A_459 = tpu.memref_slice %arg4[%squeeze3A_448, %dma_start3A_458] : memref<100001x32xf32, #tpu.memory_space<hbm>> -> memref<1x32xf32, #tpu.memory_space<hbm>>
      %dma_start3A_460 = tpu.memref_squeeze %dma_start3A_459 : memref<1x32xf32, #tpu.memory_space<hbm>> -> memref<32xf32, #tpu.memory_space<hbm>>
      %dma_start3A_461 = arith.constant 0 : i32
      %dma_start3A_462 = tpu.memref_slice %arg10[%add3A_454, %dma_start3A_461] : memref<128x32xf32, #tpu.memory_space<vmem>> -> memref<1x32xf32, #tpu.memory_space<vmem>>
      %dma_start3A_463 = tpu.memref_squeeze %dma_start3A_462 : memref<1x32xf32, #tpu.memory_space<vmem>> -> memref<32xf32, #tpu.memory_space<vmem>>
      %dma_start3A_464 = arith.constant 0 : i32
      %dma_start3A_465 = tpu.memref_slice %arg4[%squeeze3A_448, %dma_start3A_464] : memref<100001x32xf32, #tpu.memory_space<hbm>> -> memref<1x32xf32, #tpu.memory_space<hbm>>
      %dma_start3A_466 = tpu.memref_squeeze %dma_start3A_465 : memref<1x32xf32, #tpu.memory_space<hbm>> -> memref<32xf32, #tpu.memory_space<hbm>>
      tpu.enqueue_dma source(%dma_start3A_466 : memref<32xf32, #tpu.memory_space<hbm>>) target(%dma_start3A_463 : memref<32xf32, #tpu.memory_space<vmem>>) target_semaphore(%arg12 : memref<!tpu.dma_semaphore, #tpu.memory_space<semaphore_mem>>)
      %dma_start3A_467 = arith.constant 0 : i32
      %dma_start3A_468 = tpu.memref_slice %arg11[%add3A_454, %dma_start3A_467] : memref<128x32xf32, #tpu.memory_space<vmem>> -> memref<1x32xf32, #tpu.memory_space<vmem>>
      %dma_start3A_469 = tpu.memref_squeeze %dma_start3A_468 : memref<1x32xf32, #tpu.memory_space<vmem>> -> memref<32xf32, #tpu.memory_space<vmem>>
      %dma_start3A_470 = arith.constant 0 : i32
      %dma_start3A_471 = tpu.memref_slice %arg5[%squeeze3A_450, %dma_start3A_470] : memref<100001x32xf32, #tpu.memory_space<hbm>> -> memref<1x32xf32, #tpu.memory_space<hbm>>
      %dma_start3A_472 = tpu.memref_squeeze %dma_start3A_471 : memref<1x32xf32, #tpu.memory_space<hbm>> -> memref<32xf32, #tpu.memory_space<hbm>>
      %dma_start3A_473 = arith.constant 0 : i32
      %dma_start3A_474 = tpu.memref_slice %arg11[%add3A_454, %dma_start3A_473] : memref<128x32xf32, #tpu.memory_space<vmem>> -> memref<1x32xf32, #tpu.memory_space<vmem>>
      %dma_start3A_475 = tpu.memref_squeeze %dma_start3A_474 : memref<1x32xf32, #tpu.memory_space<vmem>> -> memref<32xf32, #tpu.memory_space<vmem>>
      %dma_start3A_476 = arith.constant 0 : i32
      %dma_start3A_477 = tpu.memref_slice %arg5[%squeeze3A_450, %dma_start3A_476] : memref<100001x32xf32, #tpu.memory_space<hbm>> -> memref<1x32xf32, #tpu.memory_space<hbm>>
      %dma_start3A_478 = tpu.memref_squeeze %dma_start3A_477 : memref<1x32xf32, #tpu.memory_space<hbm>> -> memref<32xf32, #tpu.memory_space<hbm>>
      tpu.enqueue_dma source(%dma_start3A_478 : memref<32xf32, #tpu.memory_space<hbm>>) target(%dma_start3A_475 : memref<32xf32, #tpu.memory_space<vmem>>) target_semaphore(%arg12 : memref<!tpu.dma_semaphore, #tpu.memory_space<semaphore_mem>>)
      %slice3A_479 = vector.extract_strided_slice %get3A_27 {offsets = [14], sizes = [1], strides = [1]} : vector<16xi32> to vector<1xi32>
      %squeeze3A_480 = vector.extract %slice3A_479[0] : i32 from vector<1xi32>
      %slice3A_481 = vector.extract_strided_slice %get3A_32 {offsets = [14], sizes = [1], strides = [1]} : vector<16xi32> to vector<1xi32>
      %squeeze3A_482 = vector.extract %slice3A_481[0] : i32 from vector<1xi32>
      %mul3A_483 = arith.constant 16 : i32
      %mul3A_484 = arith.muli %scan3A_22, %mul3A_483 : i32
      %add3A_485 = arith.constant 14 : i32
      %add3A_486 = arith.addi %mul3A_484, %add3A_485 : i32
      %dma_start3A_487 = arith.constant 0 : i32
      %dma_start3A_488 = tpu.memref_slice %arg10[%add3A_486, %dma_start3A_487] : memref<128x32xf32, #tpu.memory_space<vmem>> -> memref<1x32xf32, #tpu.memory_space<vmem>>
      %dma_start3A_489 = tpu.memref_squeeze %dma_start3A_488 : memref<1x32xf32, #tpu.memory_space<vmem>> -> memref<32xf32, #tpu.memory_space<vmem>>
      %dma_start3A_490 = arith.constant 0 : i32
      %dma_start3A_491 = tpu.memref_slice %arg4[%squeeze3A_480, %dma_start3A_490] : memref<100001x32xf32, #tpu.memory_space<hbm>> -> memref<1x32xf32, #tpu.memory_space<hbm>>
      %dma_start3A_492 = tpu.memref_squeeze %dma_start3A_491 : memref<1x32xf32, #tpu.memory_space<hbm>> -> memref<32xf32, #tpu.memory_space<hbm>>
      %dma_start3A_493 = arith.constant 0 : i32
      %dma_start3A_494 = tpu.memref_slice %arg10[%add3A_486, %dma_start3A_493] : memref<128x32xf32, #tpu.memory_space<vmem>> -> memref<1x32xf32, #tpu.memory_space<vmem>>
      %dma_start3A_495 = tpu.memref_squeeze %dma_start3A_494 : memref<1x32xf32, #tpu.memory_space<vmem>> -> memref<32xf32, #tpu.memory_space<vmem>>
      %dma_start3A_496 = arith.constant 0 : i32
      %dma_start3A_497 = tpu.memref_slice %arg4[%squeeze3A_480, %dma_start3A_496] : memref<100001x32xf32, #tpu.memory_space<hbm>> -> memref<1x32xf32, #tpu.memory_space<hbm>>
      %dma_start3A_498 = tpu.memref_squeeze %dma_start3A_497 : memref<1x32xf32, #tpu.memory_space<hbm>> -> memref<32xf32, #tpu.memory_space<hbm>>
      tpu.enqueue_dma source(%dma_start3A_498 : memref<32xf32, #tpu.memory_space<hbm>>) target(%dma_start3A_495 : memref<32xf32, #tpu.memory_space<vmem>>) target_semaphore(%arg12 : memref<!tpu.dma_semaphore, #tpu.memory_space<semaphore_mem>>)
      %dma_start3A_499 = arith.constant 0 : i32
      %dma_start3A_500 = tpu.memref_slice %arg11[%add3A_486, %dma_start3A_499] : memref<128x32xf32, #tpu.memory_space<vmem>> -> memref<1x32xf32, #tpu.memory_space<vmem>>
      %dma_start3A_501 = tpu.memref_squeeze %dma_start3A_500 : memref<1x32xf32, #tpu.memory_space<vmem>> -> memref<32xf32, #tpu.memory_space<vmem>>
      %dma_start3A_502 = arith.constant 0 : i32
      %dma_start3A_503 = tpu.memref_slice %arg5[%squeeze3A_482, %dma_start3A_502] : memref<100001x32xf32, #tpu.memory_space<hbm>> -> memref<1x32xf32, #tpu.memory_space<hbm>>
      %dma_start3A_504 = tpu.memref_squeeze %dma_start3A_503 : memref<1x32xf32, #tpu.memory_space<hbm>> -> memref<32xf32, #tpu.memory_space<hbm>>
      %dma_start3A_505 = arith.constant 0 : i32
      %dma_start3A_506 = tpu.memref_slice %arg11[%add3A_486, %dma_start3A_505] : memref<128x32xf32, #tpu.memory_space<vmem>> -> memref<1x32xf32, #tpu.memory_space<vmem>>
      %dma_start3A_507 = tpu.memref_squeeze %dma_start3A_506 : memref<1x32xf32, #tpu.memory_space<vmem>> -> memref<32xf32, #tpu.memory_space<vmem>>
      %dma_start3A_508 = arith.constant 0 : i32
      %dma_start3A_509 = tpu.memref_slice %arg5[%squeeze3A_482, %dma_start3A_508] : memref<100001x32xf32, #tpu.memory_space<hbm>> -> memref<1x32xf32, #tpu.memory_space<hbm>>
      %dma_start3A_510 = tpu.memref_squeeze %dma_start3A_509 : memref<1x32xf32, #tpu.memory_space<hbm>> -> memref<32xf32, #tpu.memory_space<hbm>>
      tpu.enqueue_dma source(%dma_start3A_510 : memref<32xf32, #tpu.memory_space<hbm>>) target(%dma_start3A_507 : memref<32xf32, #tpu.memory_space<vmem>>) target_semaphore(%arg12 : memref<!tpu.dma_semaphore, #tpu.memory_space<semaphore_mem>>)
      %slice3A_511 = vector.extract_strided_slice %get3A_27 {offsets = [15], sizes = [1], strides = [1]} : vector<16xi32> to vector<1xi32>
      %squeeze3A_512 = vector.extract %slice3A_511[0] : i32 from vector<1xi32>
      %slice3A_513 = vector.extract_strided_slice %get3A_32 {offsets = [15], sizes = [1], strides = [1]} : vector<16xi32> to vector<1xi32>
      %squeeze3A_514 = vector.extract %slice3A_513[0] : i32 from vector<1xi32>
      %mul3A_515 = arith.constant 16 : i32
      %mul3A_516 = arith.muli %scan3A_22, %mul3A_515 : i32
      %add3A_517 = arith.constant 15 : i32
      %add3A_518 = arith.addi %mul3A_516, %add3A_517 : i32
      %dma_start3A_519 = arith.constant 0 : i32
      %dma_start3A_520 = tpu.memref_slice %arg10[%add3A_518, %dma_start3A_519] : memref<128x32xf32, #tpu.memory_space<vmem>> -> memref<1x32xf32, #tpu.memory_space<vmem>>
      %dma_start3A_521 = tpu.memref_squeeze %dma_start3A_520 : memref<1x32xf32, #tpu.memory_space<vmem>> -> memref<32xf32, #tpu.memory_space<vmem>>
      %dma_start3A_522 = arith.constant 0 : i32
      %dma_start3A_523 = tpu.memref_slice %arg4[%squeeze3A_512, %dma_start3A_522] : memref<100001x32xf32, #tpu.memory_space<hbm>> -> memref<1x32xf32, #tpu.memory_space<hbm>>
      %dma_start3A_524 = tpu.memref_squeeze %dma_start3A_523 : memref<1x32xf32, #tpu.memory_space<hbm>> -> memref<32xf32, #tpu.memory_space<hbm>>
      %dma_start3A_525 = arith.constant 0 : i32
      %dma_start3A_526 = tpu.memref_slice %arg10[%add3A_518, %dma_start3A_525] : memref<128x32xf32, #tpu.memory_space<vmem>> -> memref<1x32xf32, #tpu.memory_space<vmem>>
      %dma_start3A_527 = tpu.memref_squeeze %dma_start3A_526 : memref<1x32xf32, #tpu.memory_space<vmem>> -> memref<32xf32, #tpu.memory_space<vmem>>
      %dma_start3A_528 = arith.constant 0 : i32
      %dma_start3A_529 = tpu.memref_slice %arg4[%squeeze3A_512, %dma_start3A_528] : memref<100001x32xf32, #tpu.memory_space<hbm>> -> memref<1x32xf32, #tpu.memory_space<hbm>>
      %dma_start3A_530 = tpu.memref_squeeze %dma_start3A_529 : memref<1x32xf32, #tpu.memory_space<hbm>> -> memref<32xf32, #tpu.memory_space<hbm>>
      tpu.enqueue_dma source(%dma_start3A_530 : memref<32xf32, #tpu.memory_space<hbm>>) target(%dma_start3A_527 : memref<32xf32, #tpu.memory_space<vmem>>) target_semaphore(%arg12 : memref<!tpu.dma_semaphore, #tpu.memory_space<semaphore_mem>>)
      %dma_start3A_531 = arith.constant 0 : i32
      %dma_start3A_532 = tpu.memref_slice %arg11[%add3A_518, %dma_start3A_531] : memref<128x32xf32, #tpu.memory_space<vmem>> -> memref<1x32xf32, #tpu.memory_space<vmem>>
      %dma_start3A_533 = tpu.memref_squeeze %dma_start3A_532 : memref<1x32xf32, #tpu.memory_space<vmem>> -> memref<32xf32, #tpu.memory_space<vmem>>
      %dma_start3A_534 = arith.constant 0 : i32
      %dma_start3A_535 = tpu.memref_slice %arg5[%squeeze3A_514, %dma_start3A_534] : memref<100001x32xf32, #tpu.memory_space<hbm>> -> memref<1x32xf32, #tpu.memory_space<hbm>>
      %dma_start3A_536 = tpu.memref_squeeze %dma_start3A_535 : memref<1x32xf32, #tpu.memory_space<hbm>> -> memref<32xf32, #tpu.memory_space<hbm>>
      %dma_start3A_537 = arith.constant 0 : i32
      %dma_start3A_538 = tpu.memref_slice %arg11[%add3A_518, %dma_start3A_537] : memref<128x32xf32, #tpu.memory_space<vmem>> -> memref<1x32xf32, #tpu.memory_space<vmem>>
      %dma_start3A_539 = tpu.memref_squeeze %dma_start3A_538 : memref<1x32xf32, #tpu.memory_space<vmem>> -> memref<32xf32, #tpu.memory_space<vmem>>
      %dma_start3A_540 = arith.constant 0 : i32
      %dma_start3A_541 = tpu.memref_slice %arg5[%squeeze3A_514, %dma_start3A_540] : memref<100001x32xf32, #tpu.memory_space<hbm>> -> memref<1x32xf32, #tpu.memory_space<hbm>>
      %dma_start3A_542 = tpu.memref_squeeze %dma_start3A_541 : memref<1x32xf32, #tpu.memory_space<hbm>> -> memref<32xf32, #tpu.memory_space<hbm>>
      tpu.enqueue_dma source(%dma_start3A_542 : memref<32xf32, #tpu.memory_space<hbm>>) target(%dma_start3A_539 : memref<32xf32, #tpu.memory_space<vmem>>) target_semaphore(%arg12 : memref<!tpu.dma_semaphore, #tpu.memory_space<semaphore_mem>>)
      %scan3A_543 = arith.constant 0 : i32
      scf.yield %scan3A_543 : i32
    }
    %scan3A_14 = arith.constant 8 : i32
    %scan3A_15 = arith.constant 0 : i32
    %scan3A_16 = arith.constant 0 : i32
    %scan3A_17 = arith.constant 128 : i32
    %scan3A_18 = arith.addi %scan3A_16, %scan3A_17 : i32
    %scan3A_19 = arith.constant 1 : i32
    %scan3A_20 = scf.for %scan3A_22 = %scan3A_16 to %scan3A_18 step %scan3A_19 iter_args(%scan3A_23 = %scan3A_15) -> (i32)  : i32 {
      %dma_wait3A_24 = arith.constant 0 : i32
      %dma_wait3A_25 = arith.constant 0 : i32
      %dma_wait3A_26 = arith.constant 0 : i32
      %dma_wait3A_27 = tpu.memref_slice %arg10[%dma_wait3A_25, %dma_wait3A_26] : memref<128x32xf32, #tpu.memory_space<vmem>> -> memref<1x32xf32, #tpu.memory_space<vmem>>
      %dma_wait3A_28 = tpu.memref_squeeze %dma_wait3A_27 : memref<1x32xf32, #tpu.memory_space<vmem>> -> memref<32xf32, #tpu.memory_space<vmem>>
      %dma_wait3A_29 = arith.constant 0 : i32
      %dma_wait3A_30 = tpu.memref_slice %arg4[%dma_wait3A_24, %dma_wait3A_29] : memref<100001x32xf32, #tpu.memory_space<hbm>> -> memref<1x32xf32, #tpu.memory_space<hbm>>
      %dma_wait3A_31 = tpu.memref_squeeze %dma_wait3A_30 : memref<1x32xf32, #tpu.memory_space<hbm>> -> memref<32xf32, #tpu.memory_space<hbm>>
      %dma_wait3A_32 = arith.constant 0 : i32
      %dma_wait3A_33 = tpu.memref_slice %arg10[%dma_wait3A_25, %dma_wait3A_32] : memref<128x32xf32, #tpu.memory_space<vmem>> -> memref<1x32xf32, #tpu.memory_space<vmem>>
      %dma_wait3A_34 = tpu.memref_squeeze %dma_wait3A_33 : memref<1x32xf32, #tpu.memory_space<vmem>> -> memref<32xf32, #tpu.memory_space<vmem>>
      %dma_wait3A_35 = arith.constant 0 : i32
      %dma_wait3A_36 = tpu.memref_slice %arg4[%dma_wait3A_24, %dma_wait3A_35] : memref<100001x32xf32, #tpu.memory_space<hbm>> -> memref<1x32xf32, #tpu.memory_space<hbm>>
      %dma_wait3A_37 = tpu.memref_squeeze %dma_wait3A_36 : memref<1x32xf32, #tpu.memory_space<hbm>> -> memref<32xf32, #tpu.memory_space<hbm>>
      tpu.wait_dma2 semaphore(%arg12 : memref<!tpu.dma_semaphore, #tpu.memory_space<semaphore_mem>>) src(%dma_wait3A_37 : memref<32xf32, #tpu.memory_space<hbm>>) dst(%dma_wait3A_34 : memref<32xf32, #tpu.memory_space<vmem>>)
      %dma_wait3A_38 = arith.constant 0 : i32
      %dma_wait3A_39 = arith.constant 0 : i32
      %dma_wait3A_40 = arith.constant 0 : i32
      %dma_wait3A_41 = tpu.memref_slice %arg11[%dma_wait3A_39, %dma_wait3A_40] : memref<128x32xf32, #tpu.memory_space<vmem>> -> memref<1x32xf32, #tpu.memory_space<vmem>>
      %dma_wait3A_42 = tpu.memref_squeeze %dma_wait3A_41 : memref<1x32xf32, #tpu.memory_space<vmem>> -> memref<32xf32, #tpu.memory_space<vmem>>
      %dma_wait3A_43 = arith.constant 0 : i32
      %dma_wait3A_44 = tpu.memref_slice %arg5[%dma_wait3A_38, %dma_wait3A_43] : memref<100001x32xf32, #tpu.memory_space<hbm>> -> memref<1x32xf32, #tpu.memory_space<hbm>>
      %dma_wait3A_45 = tpu.memref_squeeze %dma_wait3A_44 : memref<1x32xf32, #tpu.memory_space<hbm>> -> memref<32xf32, #tpu.memory_space<hbm>>
      %dma_wait3A_46 = arith.constant 0 : i32
      %dma_wait3A_47 = tpu.memref_slice %arg11[%dma_wait3A_39, %dma_wait3A_46] : memref<128x32xf32, #tpu.memory_space<vmem>> -> memref<1x32xf32, #tpu.memory_space<vmem>>
      %dma_wait3A_48 = tpu.memref_squeeze %dma_wait3A_47 : memref<1x32xf32, #tpu.memory_space<vmem>> -> memref<32xf32, #tpu.memory_space<vmem>>
      %dma_wait3A_49 = arith.constant 0 : i32
      %dma_wait3A_50 = tpu.memref_slice %arg5[%dma_wait3A_38, %dma_wait3A_49] : memref<100001x32xf32, #tpu.memory_space<hbm>> -> memref<1x32xf32, #tpu.memory_space<hbm>>
      %dma_wait3A_51 = tpu.memref_squeeze %dma_wait3A_50 : memref<1x32xf32, #tpu.memory_space<hbm>> -> memref<32xf32, #tpu.memory_space<hbm>>
      tpu.wait_dma2 semaphore(%arg12 : memref<!tpu.dma_semaphore, #tpu.memory_space<semaphore_mem>>) src(%dma_wait3A_51 : memref<32xf32, #tpu.memory_space<hbm>>) dst(%dma_wait3A_48 : memref<32xf32, #tpu.memory_space<vmem>>)
      %scan3A_52 = arith.constant 0 : i32
      scf.yield %scan3A_52 : i32
    }
    %scan3A_21 = arith.constant 128 : i32
    "tpu.region"() ({
      %run_scoped3A = tpu.sem_alloc : memref<!tpu.dma_semaphore, #tpu.memory_space<semaphore_mem>>
      %dma_start3A_22 = arith.constant 0 : i32
      %dma_start3A_23 = tpu.memref_slice %arg6[%mul3A_2, %dma_start3A_22] : memref<4096x32xf32, #tpu.memory_space<hbm>> -> memref<128x32xf32, #tpu.memory_space<hbm>>
      %dma_start3A_24 = arith.constant 0 : i32
      %dma_start3A_25 = tpu.memref_slice %arg6[%mul3A_2, %dma_start3A_24] : memref<4096x32xf32, #tpu.memory_space<hbm>> -> memref<128x32xf32, #tpu.memory_space<hbm>>
      tpu.enqueue_dma source(%arg10 : memref<128x32xf32, #tpu.memory_space<vmem>>) target(%dma_start3A_25 : memref<128x32xf32, #tpu.memory_space<hbm>>) target_semaphore(%run_scoped3A : memref<!tpu.dma_semaphore, #tpu.memory_space<semaphore_mem>>)
      %dma_wait3A_26 = arith.constant 0 : i32
      %dma_wait3A_27 = tpu.memref_slice %arg6[%mul3A_2, %dma_wait3A_26] : memref<4096x32xf32, #tpu.memory_space<hbm>> -> memref<128x32xf32, #tpu.memory_space<hbm>>
      %dma_wait3A_28 = arith.constant 0 : i32
      %dma_wait3A_29 = tpu.memref_slice %arg6[%mul3A_2, %dma_wait3A_28] : memref<4096x32xf32, #tpu.memory_space<hbm>> -> memref<128x32xf32, #tpu.memory_space<hbm>>
      tpu.wait_dma2 semaphore(%run_scoped3A : memref<!tpu.dma_semaphore, #tpu.memory_space<semaphore_mem>>) src(%arg10 : memref<128x32xf32, #tpu.memory_space<vmem>>) dst(%dma_wait3A_29 : memref<128x32xf32, #tpu.memory_space<hbm>>)
      tpu.yield
    }) : () -> ()
    "tpu.region"() ({
      %run_scoped3A = tpu.sem_alloc : memref<!tpu.dma_semaphore, #tpu.memory_space<semaphore_mem>>
      %dma_start3A_22 = arith.constant 0 : i32
      %dma_start3A_23 = tpu.memref_slice %arg7[%mul3A_2, %dma_start3A_22] : memref<4096x32xf32, #tpu.memory_space<hbm>> -> memref<128x32xf32, #tpu.memory_space<hbm>>
      %dma_start3A_24 = arith.constant 0 : i32
      %dma_start3A_25 = tpu.memref_slice %arg7[%mul3A_2, %dma_start3A_24] : memref<4096x32xf32, #tpu.memory_space<hbm>> -> memref<128x32xf32, #tpu.memory_space<hbm>>
      tpu.enqueue_dma source(%arg11 : memref<128x32xf32, #tpu.memory_space<vmem>>) target(%dma_start3A_25 : memref<128x32xf32, #tpu.memory_space<hbm>>) target_semaphore(%run_scoped3A : memref<!tpu.dma_semaphore, #tpu.memory_space<semaphore_mem>>)
      %dma_wait3A_26 = arith.constant 0 : i32
      %dma_wait3A_27 = tpu.memref_slice %arg7[%mul3A_2, %dma_wait3A_26] : memref<4096x32xf32, #tpu.memory_space<hbm>> -> memref<128x32xf32, #tpu.memory_space<hbm>>
      %dma_wait3A_28 = arith.constant 0 : i32
      %dma_wait3A_29 = tpu.memref_slice %arg7[%mul3A_2, %dma_wait3A_28] : memref<4096x32xf32, #tpu.memory_space<hbm>> -> memref<128x32xf32, #tpu.memory_space<hbm>>
      tpu.wait_dma2 semaphore(%run_scoped3A : memref<!tpu.dma_semaphore, #tpu.memory_space<semaphore_mem>>) src(%arg11 : memref<128x32xf32, #tpu.memory_space<vmem>>) dst(%dma_wait3A_29 : memref<128x32xf32, #tpu.memory_space<hbm>>)
      tpu.yield
    }) : () -> ()
    return
  }
}

module attributes {stable_mosaic.version = 14 : i64} {
  func.func @_loss_body(%arg0: i32, %arg1: memref<1024x32xf32, #tpu.memory_space<vmem>>, %arg2: memref<4096x32xf32, #tpu.memory_space<vmem>>, %arg3: memref<1x1xf32, #tpu.memory_space<smem>>) attributes {dimension_semantics = [#tpu.dimension_semantics<arbitrary>], iteration_bounds = array<i64: 4>, scalar_prefetch = 0 : i64, scratch_operands = 0 : i64, tpu.core_type = #tpu.core_type<tc>, window_params = [{transform_indices = @transform_0, window_bounds = array<i64: 1024, 32>}, {pipeline_mode = #tpu.pipeline_mode<synchronous>, transform_indices = @transform_1, window_bounds = array<i64: 4096, 32>}, {transform_indices = @transform_2, window_bounds = array<i64: 1, 1>}]} {
    %get3A = arith.constant 0 : index
    %get3A_0 = arith.constant 0 : index
    %get3A_1 = vector.load %arg1[%get3A, %get3A_0] : memref<1024x32xf32, #tpu.memory_space<vmem>>, vector<1024x32xf32>
    %get3A_2 = arith.constant 0 : index
    %get3A_3 = arith.constant 0 : index
    %get3A_4 = vector.load %arg2[%get3A_2, %get3A_3] : memref<4096x32xf32, #tpu.memory_space<vmem>>, vector<4096x32xf32>
    %dot_general3A = arith.constant dense<0.000000e+00> : vector<1024x4096xf32>
    %dot_general3A_5 = tpu.matmul %get3A_1, %get3A_4, %dot_general3A {dimension_numbers = #tpu.dot_dimension_numbers<[1], [1], [0], [0], [0, 0, 1, 0], [], []>, transpose_lhs_hint = false} : vector<1024x32xf32>, vector<4096x32xf32>, vector<1024x4096xf32> -> vector<1024x4096xf32>
    %exp3A = math.exp %dot_general3A_5 : vector<1024x4096xf32>
    %reduce_sum3A = arith.constant dense<0.000000e+00> : vector<1024xf32>
    %reduce_sum3A_6 = vector.multi_reduction <add>, %exp3A, %reduce_sum3A [1] : vector<1024x4096xf32> to vector<1024xf32>
    %broadcast_in_dim3A = vector.shape_cast %reduce_sum3A_6 : vector<1024xf32> to vector<1024x1xf32>
    %log3A = math.log %broadcast_in_dim3A : vector<1024x1xf32>
    %mul3A = arith.constant 1024 : i32
    %mul3A_7 = arith.muli %arg0, %mul3A : i32
    %get3A_8 = arith.index_cast %mul3A_7 : i32 to index
    %get3A_9 = arith.constant 0 : index
    %get3A_10 = vector.load %arg2[%get3A_8, %get3A_9] : memref<4096x32xf32, #tpu.memory_space<vmem>>, vector<1024x32xf32>
    %mul3A_11 = arith.mulf %get3A_1, %get3A_10 : vector<1024x32xf32>
    %reduce_sum3A_12 = vector.shape_cast %mul3A_11 : vector<1024x32xf32> to vector<1x1024x32xf32>
    %reduce_sum3A_13 = arith.constant dense<0.000000e+00> : vector<1xf32>
    %reduce_sum3A_14 = vector.multi_reduction <add>, %reduce_sum3A_12, %reduce_sum3A_13 [1, 2] : vector<1x1024x32xf32> to vector<1xf32>
    %reduce_sum3A_15 = vector.shape_cast %reduce_sum3A_14 : vector<1xf32> to vector<1x1x1xf32>
    %reduce_sum3A_16 = vector.extract %reduce_sum3A_15[0, 0, 0] : f32 from vector<1x1x1xf32>
    %reduce_sum3A_17 = vector.shape_cast %log3A : vector<1024x1xf32> to vector<1x1024x1xf32>
    %reduce_sum3A_18 = arith.constant dense<0.000000e+00> : vector<1xf32>
    %reduce_sum3A_19 = vector.multi_reduction <add>, %reduce_sum3A_17, %reduce_sum3A_18 [1, 2] : vector<1x1024x1xf32> to vector<1xf32>
    %reduce_sum3A_20 = vector.shape_cast %reduce_sum3A_19 : vector<1xf32> to vector<1x1x1xf32>
    %reduce_sum3A_21 = vector.extract %reduce_sum3A_20[0, 0, 0] : f32 from vector<1x1x1xf32>
    %sub3A = arith.subf %reduce_sum3A_21, %reduce_sum3A_16 : f32
    %eq3A = arith.constant 0 : i32
    %eq3A_22 = arith.cmpi eq, %arg0, %eq3A : i32
    %convert_element_type3A = arith.extui %eq3A_22 : i1 to i32
    %cond3A = arith.constant 0 : i32
    %cond3A_23 = arith.cmpi ne, %convert_element_type3A, %cond3A : i32
    scf.if %cond3A_23 {
      %swap3A_29 = arith.constant 0.000000e+00 : f32
      %swap3A_30 = arith.constant 0 : index
      %swap3A_31 = arith.constant 0 : index
      %swap3A_32 = memref.load %arg3[%swap3A_30, %swap3A_31] : memref<1x1xf32, #tpu.memory_space<smem>>
      memref.store %swap3A_29, %arg3[%swap3A_30, %swap3A_31] : memref<1x1xf32, #tpu.memory_space<smem>>
    } else {
    }
    %get3A_24 = arith.constant 0 : index
    %get3A_25 = arith.constant 0 : index
    %get3A_26 = memref.load %arg3[%get3A_24, %get3A_25] : memref<1x1xf32, #tpu.memory_space<smem>>
    %add3A = arith.addf %get3A_26, %sub3A : f32
    %swap3A = arith.constant 0 : index
    %swap3A_27 = arith.constant 0 : index
    %swap3A_28 = memref.load %arg3[%swap3A, %swap3A_27] : memref<1x1xf32, #tpu.memory_space<smem>>
    memref.store %add3A, %arg3[%swap3A, %swap3A_27] : memref<1x1xf32, #tpu.memory_space<smem>>
    return
  }
  func.func @transform_0(%arg0: i32) -> (i32, i32) {
    %c0_i32 = arith.constant 0 : i32
    %c0_i32_0 = arith.constant 0 : i32
    return %arg0, %c0_i32 : i32, i32
  }
  func.func @transform_1(%arg0: i32) -> (i32, i32) {
    %c0_i32 = arith.constant 0 : i32
    %c0_i32_0 = arith.constant 0 : i32
    %c0_i32_1 = arith.constant 0 : i32
    return %c0_i32, %c0_i32_0 : i32, i32
  }
  func.func @transform_2(%arg0: i32) -> (i32, i32) {
    %c0_i32 = arith.constant 0 : i32
    %c0_i32_0 = arith.constant 0 : i32
    %c0_i32_1 = arith.constant 0 : i32
    return %c0_i32, %c0_i32_0 : i32, i32
  }
}

</mosaic_0001>

<sc_bundles>
// kernel: kernel.4.cloned.1.call-start
scs
__scs_entry_jumppad:
0x0: {  	(pc) =	sbr.rel $0x88, $3  }
0x1: {  	(tag) =	ssettag $0x0;
	lr =	simm.s32 $0x1  }
0x2: {  	[smem:$0x3F9D] =	sst lr;
	_ =	strace $0xD0000000  }
0x3: {  	_ = 	snop  }
0x4: {  	_ = 	snop  }
0x5: {  	_ = 	snop  }
0x6: {  	_ = 	snop  }
0x7: {  	_ = 	snop  }
__scs_overlays_trampoline_lowered:
0x8: {  	[smem:$0x3FAC] =	sst s0  }
0x9: {  	[smem:$0x3FAD] =	sst s1  }
0xa: {  	[smem:$0x3FAE] =	sst s2  }
0xb: {  	[smem:$0x3FAF] =	sst s3  }
0xc: {  	[smem:$0x3FB0] =	sst s4  }
0xd: {  	[smem:$0x3FB1] =	sst s5  }
0xe: {  	[smem:$0x3FB2] =	sst s6  }
0xf: {  	[smem:$0x3FB3] =	sst s7  }
0x10: {  	[smem:$0x3FB4] =	sst s8  }
0x11: {  	[smem:$0x3FB5] =	sst s9;
	s0 =	simm.s32 @!p0 $0x0  }
0x12: {  	s1 =	sld [smem:$0x3F9B];
	s0 =	simm.s32 @p0 $0x1  }
0x13: {  	[smem:$0x3FB6] =	sst s0;
	s0 =	simm.s32 @!p1 $0x0  }
0x14: {  	s2 =	sld [smem:$0x3F9A];
	s0 =	simm.s32 @p1 $0x1  }
0x15: {  	[smem:$0x3FB7] =	sst s0;
	s0 =	simm.s32 @!p2 $0x0  }
0x16: {  	s3 =	sld [smem:$0x3FDB];
	s0 =	simm.s32 @p2 $0x1  }
0x17: {  	s4 =	simm.s32 $0x1BF5;
	[smem:$0x3FB9] =	sst s0  }
0x18: {  	s0 =	sld [smem:$0x3F9C];
	_ =	swait.ge [sflag:s4], $0x0  }
0x19: {  	s7 =	sld [smem:$0x3F9D]  }
0x1a: {  	s8 =	sadd.s32 $0xFFFFE003, lr  }
0x1b: {  	s9 =	sadd.s32 $0xFFFFFEF7, lr;
	s5 =	simm.s32 $0xFFFFFFFF;
	p2 =	slt.u32 s8, $0xFFFFF086  }
0x1c: {  	p1 =	slt.u32 s9, $0xF7A;
	s5 =	simm.s32 @!p2 $0x0  }
0x1d: {  	s5 =	simm.s32 @p1 $0x1;
	p0 =	seq.s32 s7, s2  }
0x1e: {  	s7 =	smul.u32 @!p0 $0xF7A, s2;
	p2 =	seq.s32 @!p0 s5, $0x0  }
0x1f: {  	s9 =	smul.u32 $0xF7A, s1;
	s8 =	simm.s32 @!p0 $0x1BF5;
	p2 =	por !p2, p0  }
0x20: {  	[sflag:s8] =	ssyncset.s32 @!p0 $0xFFFFF086;
	s6 =	sadd.s32 @!p0 s3, s7;
	s7 =	simm.s32 @!p0 $0x108  }
0x21: {  	s3 =	sadd.s32 s3, s9;
	s6 =	sadd.s32 @!p0 $0x88, s6;
	s7 =	simm.s32 @p2 $0x1082  }
0x22: {  	[simem:s7], [sflag:s8] =	dma.local @!p0 [hbm:s6], $0xF7A  }
0x23: {  	s9 =	sor.u32 $0xD0000000, s2;
	s6 =	simm.s32 $0x108;
	_ =	swait.ge @!p0 [sflag:s8], $0x0  }
0x24: {  	s3 =	sadd.s32 $0x88, s3;
	s6 =	simm.s32 @!p1 $0x1082;
	[sflag:s4] =	ssyncset.s32 $0xFFFFF086  }
0x25: {  	[simem:s6], [sflag:s4] =	dma.local [hbm:s3], $0xF7A  }
0x26: {  	[smem:$0x3F9D] =	sst s1;
	(tag) =	ssettag s2;
	_ =	strace s9  }
0x27: {  	s1 =	sld [smem:$0x3FAD]  }
0x28: {  	s2 =	sld [smem:$0x3FAE]  }
0x29: {  	s4 =	sld [smem:$0x3FB0]  }
0x2a: {  	p0 =	seq.s32 s5, $0x0;
	s5 =	sld [smem:$0x3FB1]  }
0x2b: {  	s6 =	sld [smem:$0x3FB2]  }
0x2c: {  	s7 =	sld [smem:$0x3FB3]  }
0x2d: {  	s3 =	simm.s32 $0x108;
	s8 =	sld [smem:$0x3FB4]  }
0x2e: {  	s3 =	simm.s32 @!p0 $0x1082;
	s9 =	sld [smem:$0x3FB5]  }
0x2f: {  	lr =	sadd.s32 s0, s3;
	s0 =	sld [smem:$0x3FAC]  }
0x30: {  	s3 =	sld [smem:$0x3FAF]  }
0x31: {  	[smem:$0x3FB8] =	sst s10  }
0x32: {  	s10 =	sld [smem:$0x3FB6];
	_ =	sdelay $0x3  }
0x33: {  	p0 =	seq.s32 s10, $0x1;
	s10 =	sld [smem:$0x3FB8];
	_ =	sdelay $0x3  }
0x34: {  	[smem:$0x3FB8] =	sst s10  }
0x35: {  	s10 =	sld [smem:$0x3FB7];
	_ =	sdelay $0x3  }
0x36: {  	p1 =	seq.s32 s10, $0x1;
	s10 =	sld [smem:$0x3FB8];
	_ =	sdelay $0x3  }
0x37: {  	[smem:$0x3FB8] =	sst s10  }
0x38: {  	s10 =	sld [smem:$0x3FB9]  }
0x39: {  	_ = 	snop;
	(pc) =	sbr.ind lr, $3  }
0x3a: {  	_ = 	snop  }
0x3b: {  	_ = 	snop  }
0x3c: {  	p2 =	seq.s32 s10, $0x1;
	s10 =	sld [smem:$0x3FB8]  }
0x3d: {  	_ =	shalt  }
0x3e: {  	_ =	shalt  }
0x3f: {  	_ =	shalt  }
0x40: {  	_ =	shalt  }
0x41: {  	_ =	shalt  }
0x42: {  	_ =	shalt  }
0x43: {  	_ =	shalt  }
0x44: {  	_ =	shalt  }
0x45: {  	_ =	shalt  }
0x46: {  	_ =	shalt  }
0x47: {  	_ =	shalt  }
0x48: {  	_ =	shalt  }
0x49: {  	_ =	shalt  }
0x4a: {  	_ =	shalt  }
0x4b: {  	_ =	shalt  }
0x4c: {  	_ =	shalt  }
0x4d: {  	_ =	shalt  }
0x4e: {  	_ =	shalt  }
0x4f: {  	_ =	shalt  }
0x50: {  	_ =	shalt  }
0x51: {  	_ =	shalt  }
0x52: {  	_ =	shalt  }
0x53: {  	_ =	shalt  }
0x54: {  	_ =	shalt  }
0x55: {  	_ =	shalt  }
0x56: {  	_ =	shalt  }
0x57: {  	_ =	shalt  }
0x58: {  	_ =	shalt  }
0x59: {  	_ =	shalt  }
0x5a: {  	_ =	shalt  }
0x5b: {  	_ =	shalt  }
0x5c: {  	_ =	shalt  }
0x5d: {  	_ =	shalt  }
0x5e: {  	_ =	shalt  }
0x5f: {  	_ =	shalt  }
0x60: {  	_ =	shalt  }
0x61: {  	_ =	shalt  }
0x62: {  	_ =	shalt  }
0x63: {  	_ =	shalt  }
0x64: {  	_ =	shalt  }
0x65: {  	_ =	shalt  }
0x66: {  	_ =	shalt  }
0x67: {  	_ =	shalt  }
0x68: {  	_ =	shalt  }
0x69: {  	_ =	shalt  }
0x6a: {  	_ =	shalt  }
0x6b: {  	_ =	shalt  }
0x6c: {  	_ =	shalt  }
0x6d: {  	_ =	shalt  }
0x6e: {  	_ =	shalt  }
0x6f: {  	_ =	shalt  }
0x70: {  	_ =	shalt  }
0x71: {  	_ =	shalt  }
0x72: {  	_ =	shalt  }
0x73: {  	_ =	shalt  }
0x74: {  	_ =	shalt  }
0x75: {  	_ =	shalt  }
0x76: {  	_ =	shalt  }
0x77: {  	_ =	shalt  }
0x78: {  	_ =	shalt  }
0x79: {  	_ =	shalt  }
0x7a: {  	_ =	shalt  }
0x7b: {  	_ =	shalt  }
0x7c: {  	_ =	shalt  }
0x7d: {  	_ =	shalt  }
0x7e: {  	_ =	shalt  }
0x7f: {  	_ =	shalt  }
0x80: {  	_ =	shalt  }
0x81: {  	_ =	shalt  }
0x82: {  	_ =	shalt  }
0x83: {  	_ =	shalt  }
0x84: {  	_ =	shalt  }
0x85: {  	_ =	shalt  }
0x86: {  	_ =	shalt  }
0x87: {  	_ =	shalt  }
.Lfunc_end0:
.L_simem_size_0:
called_computation_lowered:
.L_overlay_start_0:
0x88: {  	s2 =	sld [smem:$0x3FD9]  }
0x89: {  	s3 =	sld [smem:$0x3FFE];
	_ =	sdelay $0x1  }
0x8a: {  	s1 =	srdreg.scid  }
0x8b: {  	s0 =	sand.u32 $0x1, s1  }
0x8c: {  	s17 =	sshll.u32 s0, $0xA;
	s2 =	sadd.s32 s3, s2  }
0x8d: {  	s2 =	sadd.s32 s2, s17  }
0x8e: {  	[smem:$0x3FC4] =	sst s2  }
0x8f: {  	_ = 	snop  }
0x90: {  	s2 =	sld [smem:$0x3FC9]  }
0x91: {  	s18 =	sld [smem:$0x3FC8];
	(tm) =	ssettm $0x1  }
0x92: {  	s4 =	sld [smem:$0x3FFB];
	_ =	sdelay $0x3  }
0x93: {  	_ =	strace s4  }
0x94: {  	s4 =	sld [smem:$0x3FFC];
	_ =	sdelay $0x3  }
0x95: {  	_ =	strace s4  }
0x96: {  	s4 =	sld [smem:$0x3FFD];
	_ =	sdelay $0x3  }
0x97: {  	_ =	strace s4  }
0x98: {  	_ =	strace $0x8FFFFFFF  }
0x99: {  	s19 =	sld [smem:$0x3FDB];
	_ =	sdelay $0x1  }
0x9a: {  	s5 =	simm.s32 $_scs_section_size  }
0x9b: {  	s6 =	simm.s32 $_size__tile_overlayer_lowered;
	s7 =	simm.s32 $_tile_overlayer_lowered  }
0x9c: {  	s22 =	simm.s32 $0x1BFF;
	s21 =	sshll.u32 s7, $0x1;
	s4 =	sadd.s32 s5, s19  }
0x9d: {  	s8 =	simm.s32 $0x0;
	s20 =	sshll.u32 s6, $0x1;
	s6 =	sadd.s32 s21, s4  }
0x9e: {  	[timem:s8], [sflag:s22] =	dma.local [hbm:s6], s20  }
0x9f: {  	_ =	swait.ge [sflag:s22], s20  }
0xa0: {  	s5 =	ssub.s32 $0x0, s20;
	[sflag:s22] =	ssyncset.done $0x0  }
0xa1: {  	[sflag:s22] =	ssyncadd.s32 s5;
	_ =	sdelay $0x1  }
0xa2: {  	s23 =	simm.s32 $0x1B8B  }
0xa3: {  	_ =	swait.ge [sflag:s23], $0x1  }
0xa4: {  	[sflag:s23] =	ssyncset.done $0x0  }
0xa5: {  	s25 =	simm.s32 $0x1B8E;
	s24 =	sld [smem:$0x3FFE];
	[sflag:s23] =	ssyncadd.s32 $0xFFFFFFFF  }
0xa6: {  	s26 =	simm.s32 $execute0_lowered;
	[smem:$0x3FD2] =	sst s25  }
0xa7: {  	s6 =	sshll.u32 s26, $0x1;
	_ =	strace $0x80000046;
	[dreg:$0x1] =	wrdreg $0xFFFFFFFF  }
0xa8: {  	s28 =	simm.s32 $_size_execute0_lowered;
	s4 =	sadd.s32 s4, s6;
	[dreg:$0x0] =	wrdreg $0x0  }
0xa9: {  	s6 =	sshll.u32 s28, $0x1;
	[dreg:$0x2] =	wrdreg s4  }
0xaa: {  	[dreg:$0x3] =	wrdreg s6  }
0xab: {  	[dreg:$0x4] =	wrdreg $0xC0  }
0xac: {  	_ =	task [dreg:s8], $0x5FFFF  }
0xad: {  	[dreg:$0x1] =	wrdreg $0xFFFFFFFF  }
0xae: {  	[dreg:$0x0] =	wrdreg $0x60  }
0xaf: {  	[dreg:$0x2] =	wrdreg s2  }
0xb0: {  	[dreg:$0x3] =	wrdreg s18  }
0xb1: {  	[dreg:$0x4] =	wrdreg s24  }
0xb2: {  	[dreg:$0x5] =	wrdreg $0x9  }
0xb3: {  	_ =	task.clear_ibuf [dreg:s8], $0x6FFFF;
	_ =	strace $0x90000046  }
0xb4: {  	s29 =	simm.s32 $0x9;
	_ =	strace $0x80000048  }
0xb5: {  	_ =	swait.ge [sflag:s29], $0x1  }
0xb6: {  	[sflag:s29] =	ssyncadd.s32 $0xFFFFFFFF  }
0xb7: {  	_ =	strace $0x90000048  }
0xb8: {  	_ =	sfence  }
0xb9: {  	s30 =	sld [smem:$0x0];
	_ =	sdelay $0x2  }
0xba: {  	s31 =	sshll.u32 s1, $0xD;
	s1 =	sshrl.u32 s1, $0x2  }
0xbb: {  	s3 =	sand.u32 $0x4000, s31;
	s1 =	sadd.s32 s1, s30  }
0xbc: {  	s0 =	sor.u32 s3, s0;
	s1 =	sshll.u32 s1, $0x11  }
0xbd: {  	s0 =	sor.u32 s1, s0  }
0xbe: {  	s0 =	sadd.s32 $0x8F2B, s0  }
0xbf: {  	[sflag:s0] =	ssyncadd.remote.s32 $0x1  }
0xc0: {  	_ =	sfence.sel $0xFFFF  }
0xc1: {  	[dreg:$0x0] =	wrdreg $0xFFFFFFFF;
	(pc) =	sbr.abs _section_cstart, $3  }
0xc2: {  	[dreg:$0x1] =	wrdreg $0xFFFFFFFF  }
0xc3: {  	_ =	task.clear_ibuf [dreg:s8], $0x2FFFF;
	_ =	strace $0x9FFFFFFF  }
0xc4: {  	(tm) =	ssettm $0x7FFFFFFF  }
0xc5: {  	_ =	shalt  }
tec
execute0_lowered:
.L_overlay_start_1:
0x0: {  	(tag) =	ssettag $0x1  }
0x1: {  	s0 =	rddreg [dreg:$0x0]  }
0x2: {  	s1 =	rddreg [dreg:$0x1]  }
0x3: {  	s5 =	rddreg [dreg:$0x2];
	s3 =	srdreg.scid  }
0x4: {  	s2 =	simm.s32 $0x0;
	s4 =	stileid.u32;
	s6 =	sand.u32 $0x1, s3  }
0x5: {  	[smem:$0x7FF] =	sst s2;
	s7 =	sshll.u32 s4, $0x8;
	s8 =	sshll.u32 s6, $0x7  }
0x6: {  	s3 =	sadd.s32 $0xE00, s5;
	s4 =	sadd.s32 $0x187A00, s5;
	s7 =	sor.u32 s8, s7  }
0x7: {  	s6 =	ssub.s32 $0x2, s6;
	s8 =	sshll.u32 s7, $0x4;
	s7 =	sshrl.u32 s7, $0x3  }
0x8: {  	_ =	strace $0x80000047;
	s9 =	sshrl.u32 s6, $0x1;
	s0 =	sadd.s32 s0, s7  }
0x9: {  	s6 =	ssub.s32 s6, s9;
	s28 =	sadd.s32 s1, s7;
	[dreg:$0xd] =	wrdreg s0  }
0xa: {  	s5 =	sadd.s32 s8, s5;
	s31 =	smax.u32 s6, $0x1;
	[dreg:$0xe] =	wrdreg s28  }
0xb: {  	s29 =	sadd.s32 $0x30E600, s5;
	[dreg:$0x11] =	wrdreg s31  }
0xc: {  	s30 =	sadd.s32 $0x31E600, s5;
	[dreg:$0xf] =	wrdreg s29  }
0xd: {  	s6 =	simm.s32 $0x0;
	s5 =	simm.s32 $0x1;
	[dreg:$0x10] =	wrdreg s30  }
.LBB2_1:
0xe: {  	[dreg:$0x12] =	wrdreg s6  }
0xf: {  	s0 =	rddreg [dreg:$0xd]  }
0x10: {  	[tilespmem:s2], [sflag:$0x1] =	stream.linear.gather [hbm4b:s0+s2], $0x80, $0x38;
	[tilespmem:$0x8100] =	vst v63  }
0x11: {  	s24 =	simm.s32 $0x80;
	s1 =	rddreg [dreg:$0xe]  }
0x12: {  	[tilespmem:s24], [sflag:$0x1] =	stream.linear.gather [hbm4b:s1+s2], $0x80, $0x38;
	[tilespmem:$0x8100] =	vst v63  }
0x13: {  	_ =	swait.ge [sflag:s5], $0x80  }
0x14: {  	[sflag:s5] =	ssyncset.done $0x0  }
0x15: {  	[sflag:s5] =	ssyncadd.s32 $0xFFFFFF80  }
0x16: {  	_ =	swait.ge [sflag:s5], $0x80  }
0x17: {  	[sflag:s5] =	ssyncset.done $0x0  }
0x18: {  	[sflag:s5] =	ssyncadd.s32 $0xFFFFFF80  }
0x19: {  	v0 =	vld [tilespmem:s2+$0x0]  }
0x1a: {  	v2 =	vld [tilespmem:s24+$0x0];
	_ =	sdelay $0x3  }
0x1b: {  	v1 =	vshll.u32 v0, $0x4  }
0x1c: {  	v63 =	vshll.u32 v2, $0x4;
	(v2sf) =	vpush v1, $0x0  }
0x1d: {  	(v2sf) =	vpush v63, $0x0  }
0x1e: {  	(v2sf) =	vpush v1, $0x1;
	_ =	sdelay $0x1  }
0x1f: {  	(v2sf) =	vpush v63, $0x1;
	_ =	sdelay $0x3  }
0x20: {  	(v2sf) =	vpush v1, $0x2;
	_ =	sdelay $0x1  }
0x21: {  	(v2sf) =	vpush v63, $0x2  }
0x22: {  	s16 =	simm.s32 $0x2000;
	(v2sf) =	vpush v1, $0x3  }
0x23: {  	s15 =	simm.s32 $0x0;
	s25 =	simm.s32 $0x4100;
	s7 =	simm.s32 $0x100  }
0x24: {  	s9 =	simm.s32 $0x300;
	s10 =	simm.s32 $0x280;
	s29 =	simm.s32 $0x180  }
0x25: {  	s13 =	simm.s32 $0x200;
	s18 =	simm.s32 $0x4200;
	s23 =	simm.s32 $0x4300  }
0x26: {  	s0 =	simm.s32 $0x4600;
	s1 =	simm.s32 $0x580;
	s8 =	spop (v2sf);
	(v2sf) =	vpush v63, $0x3  }
0x27: {  	s5 =	simm.s32 $0x380;
	s8 =	sand.u32 $0x1FFFFFF0, s8;
	s11 =	spop (v2sf)  }
0x28: {  	(v2sf) =	vpush v1, $0x4;
	s8 =	sadd.s32 s3, s8;
	s26 =	sand.u32 $0x1FFFFFF0, s11;
	s28 =	spop (v2sf)  }
0x29: {  	(v2sf) =	vpush v63, $0x4;
	[tilespmem:s7], [sflag:$0x1] =	stream.linear.gather [hbm4b:s8+s2], $0x80, $0x38;
	[tilespmem:$0x8100] =	vst v63  }
0x2a: {  	s8 =	sadd.s32 s4, s26;
	s11 =	sand.u32 $0x1FFFFFF0, s28;
	s12 =	spop (v2sf)  }
0x2b: {  	(v2sf) =	vpush v1, $0x5;
	[tilespmem:s25], [sflag:$0x1] =	stream.linear.gather [hbm4b:s8+s2], $0x80, $0x38;
	[tilespmem:$0x8100] =	vst v63  }
0x2c: {  	s7 =	simm.s32 $0x4280;
	s30 =	sadd.s32 s3, s11;
	s31 =	sand.u32 $0x1FFFFFF0, s12;
	(v2sf) =	vpush v63, $0x5  }
0x2d: {  	[tilespmem:s29], [sflag:$0x1] =	stream.linear.gather [hbm4b:s30+s2], $0x80, $0x38;
	[tilespmem:$0x8100] =	vst v63  }
0x2e: {  	s12 =	spop (v2sf);
	s8 =	simm.s32 $0x4180;
	s11 =	sadd.s32 s4, s31;
	(v2sf) =	vpush v1, $0x6  }
0x2f: {  	[tilespmem:s8], [sflag:$0x1] =	stream.linear.gather [hbm4b:s11+s2], $0x80, $0x38;
	[tilespmem:$0x8100] =	vst v63  }
0x30: {  	s14 =	spop (v2sf);
	s31 =	simm.s32 $0x400;
	s8 =	sand.u32 $0x1FFFFFF0, s12  }
0x31: {  	s17 =	spop (v2sf);
	s11 =	sand.u32 $0x1FFFFFF0, s14;
	s8 =	sadd.s32 s3, s8  }
0x32: {  	(v2sf) =	vpush v63, $0x6;
	[tilespmem:s13], [sflag:$0x1] =	stream.linear.gather [hbm4b:s8+s2], $0x80, $0x38;
	[tilespmem:$0x8100] =	vst v63  }
0x33: {  	s20 =	sand.u32 $0x1FFFFFF0, s17;
	s29 =	simm.s32 $0x4380;
	s19 =	sadd.s32 s4, s11  }
0x34: {  	[tilespmem:s18], [sflag:$0x1] =	stream.linear.gather [hbm4b:s19+s2], $0x80, $0x38;
	[tilespmem:$0x8100] =	vst v63  }
0x35: {  	s22 =	sadd.s32 s3, s20;
	s20 =	simm.s32 $0x4400;
	s21 =	spop (v2sf)  }
0x36: {  	(v2sf) =	vpush v1, $0x7;
	[tilespmem:s10], [sflag:$0x1] =	stream.linear.gather [hbm4b:s22+s2], $0x80, $0x38;
	[tilespmem:$0x8100] =	vst v63  }
0x37: {  	s13 =	simm.s32 $0x780;
	s6 =	sand.u32 $0x1FFFFFF0, s21;
	s24 =	spop (v2sf)  }
0x38: {  	s19 =	simm.s32 $0x4700;
	(v2sf) =	vpush v63, $0x7;
	s6 =	sadd.s32 s4, s6;
	s25 =	spop (v2sf)  }
0x39: {  	(v2sf) =	vpush v1, $0x8;
	[tilespmem:s7], [sflag:$0x1] =	stream.linear.gather [hbm4b:s6+s2], $0x80, $0x38;
	[tilespmem:$0x8100] =	vst v63  }
0x3a: {  	s10 =	sand.u32 $0x1FFFFFF0, s24;
	s28 =	sand.u32 $0x1FFFFFF0, s25;
	s30 =	spop (v2sf)  }
0x3b: {  	s26 =	sadd.s32 s3, s10;
	(v2sf) =	vpush v63, $0x8;
	s7 =	sadd.s32 s4, s28;
	s10 =	spop (v2sf)  }
0x3c: {  	(v2sf) =	vpush v1, $0x9;
	[tilespmem:s9], [sflag:$0x1] =	stream.linear.gather [hbm4b:s26+s2], $0x80, $0x38;
	[tilespmem:$0x8100] =	vst v63  }
0x3d: {  	s9 =	sand.u32 $0x1FFFFFF0, s30;
	s11 =	spop (v2sf);
	s26 =	simm.s32 $0x4480  }
0x3e: {  	(v2sf) =	vpush v63, $0x9;
	[tilespmem:s23], [sflag:$0x1] =	stream.linear.gather [hbm4b:s7+s2], $0x80, $0x38;
	[tilespmem:$0x8100] =	vst v63  }
0x3f: {  	s8 =	sadd.s32 s3, s9;
	s9 =	sand.u32 $0x1FFFFFF0, s10;
	s14 =	sand.u32 $0x1FFFFFF0, s11;
	(v2sf) =	vpush v1, $0xA  }
0x40: {  	[tilespmem:s5], [sflag:$0x1] =	stream.linear.gather [hbm4b:s8+s2], $0x80, $0x38;
	[tilespmem:$0x8100] =	vst v63  }
0x41: {  	s10 =	simm.s32 $0x4780;
	s17 =	spop (v2sf);
	s12 =	sadd.s32 s4, s9;
	(v2sf) =	vpush v63, $0xA  }
0x42: {  	[tilespmem:s29], [sflag:$0x1] =	stream.linear.gather [hbm4b:s12+s2], $0x80, $0x38;
	[tilespmem:$0x8100] =	vst v63  }
0x43: {  	s11 =	simm.s32 $0x4580;
	s18 =	sadd.s32 s3, s14;
	s6 =	sand.u32 $0x1FFFFFF0, s17  }
0x44: {  	[tilespmem:s31], [sflag:$0x1] =	stream.linear.gather [hbm4b:s18+s2], $0x80, $0x38;
	[tilespmem:$0x8100] =	vst v63  }
0x45: {  	s23 =	simm.s32 $0x480;
	s6 =	sadd.s32 s4, s6;
	s21 =	spop (v2sf)  }
0x46: {  	[tilespmem:s20], [sflag:$0x1] =	stream.linear.gather [hbm4b:s6+s2], $0x80, $0x38;
	[tilespmem:$0x8100] =	vst v63  }
0x47: {  	s14 =	simm.s32 $0x600;
	(v2sf) =	vpush v1, $0xB;
	s8 =	sand.u32 $0x1FFFFFF0, s21;
	s22 =	spop (v2sf)  }
0x48: {  	s5 =	simm.s32 $0x4680;
	s24 =	sadd.s32 s3, s8;
	s28 =	spop (v2sf)  }
0x49: {  	(v2sf) =	vpush v63, $0xB;
	[tilespmem:s23], [sflag:$0x1] =	stream.linear.gather [hbm4b:s24+s2], $0x80, $0x38;
	[tilespmem:$0x8100] =	vst v63  }
0x4a: {  	s29 =	simm.s32 $0x500;
	s25 =	sand.u32 $0x1FFFFFF0, s22;
	s30 =	spop (v2sf)  }
0x4b: {  	s8 =	sadd.s32 s4, s25;
	s7 =	sand.u32 $0x1FFFFFF0, s28;
	s31 =	spop (v2sf)  }
0x4c: {  	(v2sf) =	vpush v1, $0xC;
	[tilespmem:s26], [sflag:$0x1] =	stream.linear.gather [hbm4b:s8+s2], $0x80, $0x38;
	[tilespmem:$0x8100] =	vst v63  }
0x4d: {  	s7 =	sadd.s32 s3, s7;
	s8 =	sand.u32 $0x1FFFFFF0, s30;
	s12 =	spop (v2sf)  }
0x4e: {  	(v2sf) =	vpush v63, $0xC;
	s9 =	sand.u32 $0x1FFFFFF0, s31;
	s26 =	simm.s32 $0x680;
	s17 =	spop (v2sf)  }
0x4f: {  	[tilespmem:s29], [sflag:$0x1] =	stream.linear.gather [hbm4b:s7+s2], $0x80, $0x38;
	[tilespmem:$0x8100] =	vst v63  }
0x50: {  	s8 =	sadd.s32 s4, s8;
	s7 =	simm.s32 $0x4500;
	s18 =	spop (v2sf)  }
0x51: {  	[tilespmem:s7], [sflag:$0x1] =	stream.linear.gather [hbm4b:s8+s2], $0x80, $0x38;
	[tilespmem:$0x8100] =	vst v63  }
0x52: {  	s21 =	sand.u32 $0x1FFFFFF0, s18;
	s8 =	sadd.s32 s3, s9;
	s7 =	sand.u32 $0x1FFFFFF0, s12  }
0x53: {  	[tilespmem:s1], [sflag:$0x1] =	stream.linear.gather [hbm4b:s8+s2], $0x80, $0x38;
	[tilespmem:$0x8100] =	vst v63  }
0x54: {  	s23 =	sadd.s32 s4, s21;
	s7 =	sadd.s32 s4, s7;
	s8 =	sand.u32 $0x1FFFFFF0, s17  }
0x55: {  	[tilespmem:s11], [sflag:$0x1] =	stream.linear.gather [hbm4b:s7+s2], $0x80, $0x38;
	[tilespmem:$0x8100] =	vst v63  }
0x56: {  	s21 =	simm.s32 $0x90;
	s20 =	sadd.s32 s3, s8;
	s22 =	spop (v2sf)  }
0x57: {  	[tilespmem:s14], [sflag:$0x1] =	stream.linear.gather [hbm4b:s20+s2], $0x80, $0x38;
	[tilespmem:$0x8100] =	vst v63  }
0x58: {  	s20 =	simm.s32 $0x10;
	s24 =	sand.u32 $0x1FFFFFF0, s22;
	s25 =	spop (v2sf)  }
0x59: {  	(v2sf) =	vpush v1, $0xD;
	[tilespmem:s0], [sflag:$0x1] =	stream.linear.gather [hbm4b:s23+s2], $0x80, $0x38;
	[tilespmem:$0x8100] =	vst v63  }
0x5a: {  	(v2sf) =	vpush v63, $0xD;
	s22 =	simm.s32 $0x4800;
	s28 =	sadd.s32 s3, s24;
	s29 =	sand.u32 $0x1FFFFFF0, s25  }
0x5b: {  	s24 =	simm.s32 $0x700;
	(v2sf) =	vpush v1, $0xE;
	s23 =	simm.s32 $0x800;
	s31 =	spop (v2sf)  }
0x5c: {  	(v2sf) =	vpush v63, $0xE;
	[tilespmem:s26], [sflag:$0x1] =	stream.linear.gather [hbm4b:s28+s2], $0x80, $0x38;
	[tilespmem:$0x8100] =	vst v63  }
0x5d: {  	s30 =	sadd.s32 s4, s29;
	(v2sf) =	vpush v1, $0xF;
	s0 =	sand.u32 $0x1FFFFFF0, s31;
	s1 =	spop (v2sf)  }
0x5e: {  	(v2sf) =	vpush v63, $0xF;
	[tilespmem:s5], [sflag:$0x1] =	stream.linear.gather [hbm4b:s30+s2], $0x80, $0x38;
	[tilespmem:$0x8100] =	vst v63  }
.LBB2_2:
0x5f: {  	_ =	sdelay $0x4  }
0x60: {  	s0 =	sadd.s32 s3, s0;
	s1 =	sand.u32 $0x1FFFFFF0, s1  }
0x61: {  	[tilespmem:s24], [sflag:$0x1] =	stream.linear.gather [hbm4b:s0+s2], $0x80, $0x38;
	[tilespmem:$0x8100] =	vst v63  }
0x62: {  	s17 =	sadd.s32 s4, s1  }
0x63: {  	[tilespmem:s19], [sflag:$0x1] =	stream.linear.gather [hbm4b:s17+s2], $0x80, $0x38;
	[tilespmem:$0x8100] =	vst v63  }
0x64: {  	s5 =	spop (v2sf)  }
0x65: {  	s18 =	sand.u32 $0x1FFFFFF0, s5;
	s24 =	spop (v2sf)  }
0x66: {  	s25 =	sadd.s32 s3, s18;
	s26 =	sand.u32 $0x1FFFFFF0, s24;
	s28 =	spop (v2sf)  }
0x67: {  	[tilespmem:s13], [sflag:$0x1] =	stream.linear.gather [hbm4b:s25+s2], $0x80, $0x38;
	[tilespmem:$0x8100] =	vst v63  }
0x68: {  	s29 =	sadd.s32 s4, s26;
	s30 =	sand.u32 $0x1FFFFFF0, s28;
	s31 =	spop (v2sf)  }
0x69: {  	[tilespmem:s10], [sflag:$0x1] =	stream.linear.gather [hbm4b:s29+s2], $0x80, $0x38;
	[tilespmem:$0x8100] =	vst v63  }
0x6a: {  	s6 =	sadd.s32 s3, s30;
	s7 =	sand.u32 $0x1FFFFFF0, s31;
	s8 =	spop (v2sf)  }
0x6b: {  	[tilespmem:s23], [sflag:$0x1] =	stream.linear.gather [hbm4b:s6+s2], $0x80, $0x38;
	[tilespmem:$0x8100] =	vst v63  }
0x6c: {  	s9 =	sadd.s32 s4, s7;
	s10 =	sand.u32 $0x1FFFFFF0, s8;
	s11 =	spop (v2sf)  }
0x6d: {  	[tilespmem:s22], [sflag:$0x1] =	stream.linear.gather [hbm4b:s9+s2], $0x80, $0x38;
	[tilespmem:$0x8100] =	vst v63  }
0x6e: {  	s12 =	sadd.s32 $0x880, s15;
	s1 =	sadd.s32 s3, s10;
	s5 =	sand.u32 $0x1FFFFFF0, s11  }
0x6f: {  	[tilespmem:s12], [sflag:$0x1] =	stream.linear.gather [hbm4b:s1+s2], $0x80, $0x38;
	[tilespmem:$0x8100] =	vst v63  }
0x70: {  	s13 =	sadd.s32 $0x4880, s15;
	s14 =	sadd.s32 s4, s5  }
0x71: {  	[tilespmem:s13], [sflag:$0x1] =	stream.linear.gather [hbm4b:s14+s2], $0x80, $0x38;
	[tilespmem:$0x8100] =	vst v63  }
0x72: {  	v0 =	vld [tilespmem:s20+$0x0]  }
0x73: {  	v2 =	vld [tilespmem:s21+$0x0];
	_ =	sdelay $0x3  }
0x74: {  	v1 =	vshll.u32 v0, $0x4  }
0x75: {  	s15 =	smov.u32 s16;
	v63 =	vshll.u32 v2, $0x4;
	(v2sf) =	vpush v1, $0x0  }
0x76: {  	s15 =	sshra.s32 s15, $0x2;
	(v2sf) =	vpush v63, $0x0  }
0x77: {  	p0 =	sne.s32 s16, $0xE000;
	s16 =	sadd.s32 $0x2000, s16;
	s26 =	sadd.s32 $0x4100, s15;
	(v2sf) =	vpush v1, $0x1  }
0x78: {  	s0 =	sadd.s32 $0x580, s15;
	s29 =	sadd.s32 $0x100, s15;
	s17 =	sadd.s32 $0x4600, s15  }
0x79: {  	s19 =	sadd.s32 $0x4700, s15;
	s25 =	sadd.s32 $0x200, s15;
	s18 =	sadd.s32 $0x780, s15;
	(v2sf) =	vpush v63, $0x1  }
0x7a: {  	s28 =	sadd.s32 $0x4180, s15;
	s8 =	sadd.s32 $0x4380, s15;
	[dreg:$0x6] =	wrdreg s0  }
0x7b: {  	s7 =	sadd.s32 $0x400, s15;
	s24 =	sadd.s32 $0x600, s15;
	[dreg:$0x4] =	wrdreg s17;
	(v2sf) =	vpush v1, $0x2  }
0x7c: {  	s30 =	sadd.s32 $0x4500, s15;
	s31 =	sadd.s32 $0x500, s15;
	[dreg:$0xa] =	wrdreg s18  }
0x7d: {  	s11 =	sadd.s32 $0x380, s15;
	s10 =	sadd.s32 $0x280, s15;
	[dreg:$0x7] =	wrdreg s24;
	(v2sf) =	vpush v63, $0x2  }
0x7e: {  	s17 =	sadd.s32 $0x4200, s15;
	[dreg:$0xb] =	wrdreg s30;
	s24 =	sadd.s32 $0x700, s15  }
0x7f: {  	s30 =	sadd.s32 $0x180, s15;
	[dreg:$0xc] =	wrdreg s31;
	s18 =	sadd.s32 $0x680, s15;
	(v2sf) =	vpush v1, $0x3  }
0x80: {  	s6 =	sadd.s32 $0x4400, s15;
	s23 =	sadd.s32 $0x4580, s15;
	[dreg:$0x9] =	wrdreg s18  }
0x81: {  	s5 =	sadd.s32 $0x480, s15;
	[dreg:$0x8] =	wrdreg s23;
	s22 =	sadd.s32 $0x4680, s15;
	(v2sf) =	vpush v63, $0x3  }
0x82: {  	s23 =	sadd.s32 $0x800, s15;
	s9 =	sadd.s32 $0x300, s15;
	[dreg:$0x5] =	wrdreg s22  }
0x83: {  	s22 =	sadd.s32 $0x4800, s15;
	s12 =	sadd.s32 $0x4300, s15;
	s1 =	sadd.s32 $0x4780, s15;
	(v2sf) =	vpush v1, $0x4  }
0x84: {  	s14 =	sadd.s32 $0x4280, s15;
	s13 =	sadd.s32 $0x4480, s15;
	s31 =	spop (v2sf)  }
0x85: {  	s20 =	sadd.s32 $0x10, s20;
	s31 =	sand.u32 $0x1FFFFFF0, s31;
	s18 =	spop (v2sf);
	(v2sf) =	vpush v63, $0x4  }
0x86: {  	s31 =	sadd.s32 s3, s31;
	s18 =	sand.u32 $0x1FFFFFF0, s18;
	s0 =	spop (v2sf)  }
0x87: {  	(v2sf) =	vpush v1, $0x5;
	[tilespmem:s29], [sflag:$0x1] =	stream.linear.gather [hbm4b:s31+s2], $0x80, $0x38;
	[tilespmem:$0x8100] =	vst v63  }
0x88: {  	s18 =	sadd.s32 s4, s18;
	s0 =	sand.u32 $0x1FFFFFF0, s0;
	s31 =	spop (v2sf);
	(v2sf) =	vpush v63, $0x5  }
0x89: {  	[tilespmem:s26], [sflag:$0x1] =	stream.linear.gather [hbm4b:s18+s2], $0x80, $0x38;
	[tilespmem:$0x8100] =	vst v63  }
0x8a: {  	s0 =	sadd.s32 s3, s0;
	s29 =	sand.u32 $0x1FFFFFF0, s31;
	s31 =	spop (v2sf);
	(v2sf) =	vpush v1, $0x6  }
0x8b: {  	[tilespmem:s30], [sflag:$0x1] =	stream.linear.gather [hbm4b:s0+s2], $0x80, $0x38;
	[tilespmem:$0x8100] =	vst v63  }
0x8c: {  	s29 =	sadd.s32 s4, s29;
	s30 =	sand.u32 $0x1FFFFFF0, s31;
	s31 =	spop (v2sf);
	(v2sf) =	vpush v63, $0x6  }
0x8d: {  	[tilespmem:s28], [sflag:$0x1] =	stream.linear.gather [hbm4b:s29+s2], $0x80, $0x38;
	[tilespmem:$0x8100] =	vst v63  }
0x8e: {  	s29 =	sadd.s32 s3, s30;
	s30 =	sand.u32 $0x1FFFFFF0, s31;
	s31 =	spop (v2sf)  }
0x8f: {  	(v2sf) =	vpush v1, $0x7;
	[tilespmem:s25], [sflag:$0x1] =	stream.linear.gather [hbm4b:s29+s2], $0x80, $0x38;
	[tilespmem:$0x8100] =	vst v63  }
0x90: {  	s26 =	sand.u32 $0x1FFFFFF0, s31;
	s28 =	spop (v2sf);
	s25 =	sadd.s32 s4, s30  }
0x91: {  	(v2sf) =	vpush v63, $0x7;
	[tilespmem:s17], [sflag:$0x1] =	stream.linear.gather [hbm4b:s25+s2], $0x80, $0x38;
	[tilespmem:$0x8100] =	vst v63  }
0x92: {  	s29 =	sadd.s32 s3, s26;
	s30 =	sand.u32 $0x1FFFFFF0, s28;
	s31 =	spop (v2sf)  }
0x93: {  	(v2sf) =	vpush v1, $0x8;
	[tilespmem:s10], [sflag:$0x1] =	stream.linear.gather [hbm4b:s29+s2], $0x80, $0x38;
	[tilespmem:$0x8100] =	vst v63  }
0x94: {  	s21 =	sadd.s32 $0x10, s21;
	s25 =	sadd.s32 s4, s30;
	s28 =	spop (v2sf)  }
0x95: {  	[tilespmem:s14], [sflag:$0x1] =	stream.linear.gather [hbm4b:s25+s2], $0x80, $0x38;
	[tilespmem:$0x8100] =	vst v63  }
0x96: {  	s26 =	sand.u32 $0x1FFFFFF0, s31;
	s30 =	sand.u32 $0x1FFFFFF0, s28;
	s31 =	spop (v2sf)  }
0x97: {  	s29 =	sadd.s32 s3, s26;
	(v2sf) =	vpush v63, $0x8;
	s10 =	sadd.s32 s4, s30;
	s18 =	spop (v2sf)  }
0x98: {  	(v2sf) =	vpush v1, $0x9;
	[tilespmem:s9], [sflag:$0x1] =	stream.linear.gather [hbm4b:s29+s2], $0x80, $0x38;
	[tilespmem:$0x8100] =	vst v63  }
0x99: {  	s17 =	sand.u32 $0x1FFFFFF0, s31;
	s26 =	sand.u32 $0x1FFFFFF0, s18;
	s28 =	spop (v2sf)  }
0x9a: {  	(v2sf) =	vpush v63, $0x9;
	[tilespmem:s12], [sflag:$0x1] =	stream.linear.gather [hbm4b:s10+s2], $0x80, $0x38;
	[tilespmem:$0x8100] =	vst v63  }
0x9b: {  	s25 =	sadd.s32 s3, s17;
	s29 =	sadd.s32 s4, s26;
	s31 =	spop (v2sf)  }
0x9c: {  	[tilespmem:s11], [sflag:$0x1] =	stream.linear.gather [hbm4b:s25+s2], $0x80, $0x38;
	[tilespmem:$0x8100] =	vst v63  }
0x9d: {  	s30 =	sand.u32 $0x1FFFFFF0, s28;
	s10 =	smov.u32 s1;
	s12 =	sand.u32 $0x1FFFFFF0, s31  }
0x9e: {  	(v2sf) =	vpush v1, $0xA;
	s11 =	sadd.s32 s3, s30;
	s14 =	spop (v2sf);
	s17 =	sadd.s32 s4, s12  }
0x9f: {  	[tilespmem:s8], [sflag:$0x1] =	stream.linear.gather [hbm4b:s29+s2], $0x80, $0x38;
	[tilespmem:$0x8100] =	vst v63  }
0xa0: {  	(v2sf) =	vpush v63, $0xA;
	s18 =	sand.u32 $0x1FFFFFF0, s14;
	s25 =	spop (v2sf);
	s8 =	rddreg [dreg:$0xc]  }
0xa1: {  	[tilespmem:s7], [sflag:$0x1] =	stream.linear.gather [hbm4b:s11+s2], $0x80, $0x38;
	[tilespmem:$0x8100] =	vst v63  }
0xa2: {  	(v2sf) =	vpush v1, $0xB;
	s14 =	rddreg [dreg:$0xb];
	s28 =	sand.u32 $0x1FFFFFF0, s25;
	s29 =	spop (v2sf)  }
0xa3: {  	[tilespmem:s6], [sflag:$0x1] =	stream.linear.gather [hbm4b:s17+s2], $0x80, $0x38;
	[tilespmem:$0x8100] =	vst v63  }
0xa4: {  	s26 =	sadd.s32 s3, s18;
	s30 =	sadd.s32 s4, s28;
	s31 =	sand.u32 $0x1FFFFFF0, s29  }
0xa5: {  	[tilespmem:s5], [sflag:$0x1] =	stream.linear.gather [hbm4b:s26+s2], $0x80, $0x38;
	[tilespmem:$0x8100] =	vst v63  }
0xa6: {  	(v2sf) =	vpush v63, $0xB;
	s1 =	spop (v2sf);
	s5 =	sadd.s32 s3, s31;
	s26 =	rddreg [dreg:$0x6]  }
0xa7: {  	(v2sf) =	vpush v1, $0xC;
	s31 =	rddreg [dreg:$0x8];
	s6 =	sand.u32 $0x1FFFFFF0, s1;
	s7 =	spop (v2sf)  }
0xa8: {  	[tilespmem:s13], [sflag:$0x1] =	stream.linear.gather [hbm4b:s30+s2], $0x80, $0x38;
	[tilespmem:$0x8100] =	vst v63  }
0xa9: {  	(v2sf) =	vpush v63, $0xC;
	s13 =	rddreg [dreg:$0xa];
	s11 =	sand.u32 $0x1FFFFFF0, s7;
	s12 =	spop (v2sf)  }
0xaa: {  	[tilespmem:s8], [sflag:$0x1] =	stream.linear.gather [hbm4b:s5+s2], $0x80, $0x38;
	[tilespmem:$0x8100] =	vst v63  }
0xab: {  	s9 =	sadd.s32 s4, s6;
	s17 =	sadd.s32 s3, s11;
	s18 =	sand.u32 $0x1FFFFFF0, s12  }
0xac: {  	[tilespmem:s14], [sflag:$0x1] =	stream.linear.gather [hbm4b:s9+s2], $0x80, $0x38;
	[tilespmem:$0x8100] =	vst v63  }
0xad: {  	s25 =	spop (v2sf);
	s11 =	rddreg [dreg:$0x7];
	s28 =	sadd.s32 s4, s18  }
0xae: {  	[tilespmem:s26], [sflag:$0x1] =	stream.linear.gather [hbm4b:s17+s2], $0x80, $0x38;
	[tilespmem:$0x8100] =	vst v63  }
0xaf: {  	s29 =	sand.u32 $0x1FFFFFF0, s25;
	s18 =	rddreg [dreg:$0x4];
	s30 =	spop (v2sf)  }
0xb0: {  	[tilespmem:s31], [sflag:$0x1] =	stream.linear.gather [hbm4b:s28+s2], $0x80, $0x38;
	[tilespmem:$0x8100] =	vst v63  }
0xb1: {  	s7 =	sadd.s32 s3, s29;
	s8 =	sand.u32 $0x1FFFFFF0, s30;
	s9 =	spop (v2sf)  }
0xb2: {  	[tilespmem:s11], [sflag:$0x1] =	stream.linear.gather [hbm4b:s7+s2], $0x80, $0x38;
	[tilespmem:$0x8100] =	vst v63  }
0xb3: {  	s29 =	rddreg [dreg:$0x9];
	s12 =	sadd.s32 s4, s8;
	s14 =	sand.u32 $0x1FFFFFF0, s9  }
0xb4: {  	(v2sf) =	vpush v1, $0xD;
	[tilespmem:s18], [sflag:$0x1] =	stream.linear.gather [hbm4b:s12+s2], $0x80, $0x38;
	[tilespmem:$0x8100] =	vst v63  }
.Ltmp0:
0xb5: {  	(v2sf) =	vpush v63, $0xD;
	s17 =	spop (v2sf);
	s25 =	sadd.s32 s3, s14;
	(pc) =	sbr.rel @p0 .LBB2_2-.Ltmp0, $4  }
0xb6: {  	(v2sf) =	vpush v1, $0xE;
	s26 =	sand.u32 $0x1FFFFFF0, s17;
	s28 =	spop (v2sf);
	s31 =	rddreg [dreg:$0x5]  }
0xb7: {  	(v2sf) =	vpush v63, $0xE;
	[tilespmem:s29], [sflag:$0x1] =	stream.linear.gather [hbm4b:s25+s2], $0x80, $0x38;
	[tilespmem:$0x8100] =	vst v63  }
0xb8: {  	(v2sf) =	vpush v1, $0xF;
	s30 =	sadd.s32 s4, s26;
	s0 =	sand.u32 $0x1FFFFFF0, s28;
	s1 =	spop (v2sf)  }
0xb9: {  	(v2sf) =	vpush v63, $0xF;
	[tilespmem:s31], [sflag:$0x1] =	stream.linear.gather [hbm4b:s30+s2], $0x80, $0x38;
	[tilespmem:$0x8100] =	vst v63  }
0xba: {  	_ =	sdelay $0x4  }
0xbb: {  	s0 =	sadd.s32 s3, s0;
	s1 =	sand.u32 $0x1FFFFFF0, s1  }
0xbc: {  	[tilespmem:s24], [sflag:$0x1] =	stream.linear.gather [hbm4b:s0+s2], $0x80, $0x38;
	[tilespmem:$0x8100] =	vst v63  }
0xbd: {  	s8 =	sadd.s32 s4, s1  }
0xbe: {  	[tilespmem:s19], [sflag:$0x1] =	stream.linear.gather [hbm4b:s8+s2], $0x80, $0x38;
	[tilespmem:$0x8100] =	vst v63  }
0xbf: {  	s5 =	spop (v2sf)  }
0xc0: {  	s9 =	sand.u32 $0x1FFFFFF0, s5;
	s11 =	spop (v2sf)  }
0xc1: {  	s12 =	sadd.s32 s3, s9;
	s14 =	sand.u32 $0x1FFFFFF0, s11;
	s16 =	spop (v2sf)  }
0xc2: {  	[tilespmem:s13], [sflag:$0x1] =	stream.linear.gather [hbm4b:s12+s2], $0x80, $0x38;
	[tilespmem:$0x8100] =	vst v63  }
0xc3: {  	s17 =	sadd.s32 s4, s14;
	s18 =	sand.u32 $0x1FFFFFF0, s16;
	s19 =	spop (v2sf)  }
0xc4: {  	[tilespmem:s10], [sflag:$0x1] =	stream.linear.gather [hbm4b:s17+s2], $0x80, $0x38;
	[tilespmem:$0x8100] =	vst v63  }
0xc5: {  	s20 =	sadd.s32 s3, s18;
	s21 =	sand.u32 $0x1FFFFFF0, s19;
	s24 =	spop (v2sf)  }
0xc6: {  	[tilespmem:s23], [sflag:$0x1] =	stream.linear.gather [hbm4b:s20+s2], $0x80, $0x38;
	[tilespmem:$0x8100] =	vst v63  }
0xc7: {  	s25 =	sadd.s32 s4, s21;
	s26 =	sand.u32 $0x1FFFFFF0, s24;
	s28 =	spop (v2sf)  }
0xc8: {  	[tilespmem:s22], [sflag:$0x1] =	stream.linear.gather [hbm4b:s25+s2], $0x80, $0x38;
	[tilespmem:$0x8100] =	vst v63  }
0xc9: {  	s29 =	sadd.s32 $0x880, s15;
	s1 =	sadd.s32 s3, s26;
	s5 =	sand.u32 $0x1FFFFFF0, s28  }
0xca: {  	[tilespmem:s29], [sflag:$0x1] =	stream.linear.gather [hbm4b:s1+s2], $0x80, $0x38;
	[tilespmem:$0x8100] =	vst v63  }
0xcb: {  	s30 =	sadd.s32 $0x4880, s15;
	s31 =	sadd.s32 s4, s5;
	s5 =	simm.s32 $0x1  }
0xcc: {  	[tilespmem:s30], [sflag:$0x1] =	stream.linear.gather [hbm4b:s31+s2], $0x80, $0x38;
	[tilespmem:$0x8100] =	vst v63  }
0xcd: {  	_ =	swait.ge [sflag:s5], $0x80  }
0xce: {  	[sflag:s5] =	ssyncset.done $0x0  }
0xcf: {  	[sflag:s5] =	ssyncadd.s32 $0xFFFFFF80  }
0xd0: {  	_ =	swait.ge [sflag:s5], $0x80  }
0xd1: {  	s0 =	simm.s32 $0x7F;
	[sflag:s5] =	ssyncset.done $0x0  }
.LBB2_4:
0xd2: {  	p0 =	sne.s32 s0, $0x1;
	s0 =	sadd.s32 $0xFFFFFFFF, s0;
	[sflag:s5] =	ssyncadd.s32 $0xFFFFFF80  }
.Ltmp1:
0xd3: {  	_ =	swait.ge [sflag:s5], $0x80;
	(pc) =	sbr.rel @p0 .LBB2_4-.Ltmp1, $4  }
0xd4: {  	[sflag:s5] =	ssyncset.done $0x0  }
0xd5: {  	[sflag:s5] =	ssyncadd.s32 $0xFFFFFF80  }
0xd6: {  	_ =	swait.ge [sflag:s5], $0x80  }
0xd7: {  	[sflag:s5] =	ssyncset.done $0x0  }
0xd8: {  	[sflag:s5] =	ssyncadd.s32 $0xFFFFFF80  }
0xd9: {  	s0 =	rddreg [dreg:$0xf];
	s1 =	simm.s32 $0x100;
	s28 =	simm.s32 $0x2  }
0xda: {  	[hbm4b:s0+s2] =	stream.linear.scatter [tilespmem:s1], [sflag:$0x2], $0x4000, $0x38;
	[tilespmem:$0x8100] =	vst v63  }
0xdb: {  	_ =	swait.ge [sflag:s28], $0x4000  }
0xdc: {  	[sflag:s28] =	ssyncset.done $0x0  }
0xdd: {  	s6 =	simm.s32 $0x4100;
	s29 =	rddreg [dreg:$0x10];
	[sflag:s28] =	ssyncadd.s32 $0xFFFFC000  }
0xde: {  	[hbm4b:s29+s2] =	stream.linear.scatter [tilespmem:s6], [sflag:$0x2], $0x4000, $0x38;
	[tilespmem:$0x8100] =	vst v63  }
0xdf: {  	_ =	swait.ge [sflag:s28], $0x4000  }
0xe0: {  	s30 =	rddreg [dreg:$0x12]  }
0xe1: {  	s31 =	rddreg [dreg:$0x11];
	s6 =	sadd.s32 $0x1, s30  }
0xe2: {  	p0 =	sne.s32 s6, s31  }
.Ltmp2:
0xe3: {  	_ = 	snop;
	(pc) =	sbr.rel @p0 .LBB2_1-.Ltmp2, $3  }
0xe4: {  	_ =	sdelay $0x1  }
0xe5: {  	[sflag:s28] =	ssyncset.done $0x0  }
0xe6: {  	[sflag:s28] =	ssyncadd.s32 $0xFFFFC000  }
0xe7: {  	_ =	sfence.sel $0x180000  }
0xe8: {  	[bflag:$0x0] =	sbarrier.arrive $0xFFFF  }
0xe9: {  	_ =	strace $0x90000047  }
0xea: {  	s0 =	stileid.u32;
	[bflag:$0x2] =	sbarrier.arrive $0xFFFF  }
0xeb: {  	p0 =	sne.s32 s0, $0x0;
	s0 =	rddreg [dreg:$0x3]  }
0xec: {  	s0 =	sadd.s32 @!p0 $0x100000, s0  }
0xed: {  	[sflag:s0] =	ssyncadd.tile.s32 @!p0 $0x1;
	_ =	shalt  }
.Lfunc_end2:
_tile_overlayer_lowered:
.L_overlay_start_2:
0xee: {  	(tag) =	ssettag $0x2  }
0xef: {  	s0 =	rddreg [dreg:$0x0];
	s2 =	stileid.u32  }
0xf0: {  	s1 =	rddreg [dreg:$0x1];
	p0 =	sne.s32 s2, $0x0  }
0xf1: {  	s3 =	rddreg [dreg:$0x2];
	[bflag:$0x3] =	sbarrier.arrive $0xFFFF;
	s2 =	simm.s32 @!p0 $0x1C02  }
0xf2: {  	[timem:s3], [sflag:s2] =	dma.local @!p0 [hbm:s0], s1  }
0xf3: {  	s0 =	simm.s32 @!p0 $0x2  }
0xf4: {  	_ =	swait.ge @!p0 [sflag:s0], s1  }
0xf5: {  	s1 =	ssub.s32 @!p0 $0x0, s1;
	[sflag:s0] =	ssyncset.done @!p0 $0x0  }
0xf6: {  	[sflag:s0] =	ssyncadd.s32 @!p0 s1  }
0xf7: {  	[bflag:$0x3] =	sbarrier.arrive $0xFFFF  }
0xf8: {  	_ =	shalt  }

</sc_bundles>
